<compile_context>
chip_gen: v7x
topology: tpu7x:2x2x1
jax: 0.10.2.dev20260603
libtpu: 0.0.44.dev20260713+nightly
codegen_flags: <defaults>
</compile_context>

<pallas_src>
import functools

import jax
import jax.numpy as jnp
from jax import lax
from jax.experimental import pallas as pl
from jax.experimental.pallas import tpu as pltpu
from jax.experimental.pallas import tpu_sc as plsc

N = 2048
D = 2048
F = 4096
NE = 8

TA = 256
NTA = N // TA

TT = 512
GMAX = 11
NDISP = GMAX * TT

FC = 512
NFC = F // FC

CH = 32
NW = 32
TPW = N // NW



def _router_body(x_ref, gw_ref, logits_ref, pos_ref, cnt_out_ref,
                 cnt_scr, base_scr, lg_scr):
    p = pl.program_id(0)
    g = pl.program_id(1)

    @pl.when((p == 0) & (g == 0))
    def _init():
        cnt_scr[...] = jnp.zeros_like(cnt_scr)

    row0 = pl.multiple_of(g * TA, TA)

    @pl.when(p == 0)
    def _mklogits():
        lg_scr[pl.ds(row0, TA), :] = lax.dot_general(
            x_ref[...], gw_ref[...], (((1,), (1,)), ((), ())),
            preferred_element_type=jnp.float32)

    logits = lg_scr[pl.ds(row0, TA), :]
    lane = lax.broadcasted_iota(jnp.int32, (TA, NE), 1)
    mx = jnp.max(logits, axis=1, keepdims=True)
    top1 = jnp.min(jnp.where(logits == mx, lane, NE), axis=1,
                   keepdims=True)
    oh = (lane == top1).astype(jnp.float32)

    logits_ref[...] = logits

    @pl.when((p == 1) & (g == 0))
    def _mkbase():
        cnt = cnt_scr[...]
        ci = cnt.astype(jnp.int32)
        padded = (((ci + (TT - 1)) // TT) * TT).astype(jnp.float32)
        r2 = lax.broadcasted_iota(jnp.int32, (NE, NE), 0)
        c2 = lax.broadcasted_iota(jnp.int32, (NE, NE), 1)
        tri = (r2 < c2).astype(jnp.float32)
        base_scr[...] = jnp.dot(padded, tri,
                                preferred_element_type=jnp.float32)
        cnt_scr[...] = jnp.zeros_like(cnt_scr)

    @pl.when(p == 1)
    def _assign():
        ri = lax.broadcasted_iota(jnp.int32, (TA, TA), 0)
        ci = lax.broadcasted_iota(jnp.int32, (TA, TA), 1)
        tril = (ci < ri).astype(jnp.float32)
        ranks = jnp.dot(tril, oh, preferred_element_type=jnp.float32)
        rank = jnp.sum(ranks * oh, axis=1, keepdims=True)
        run = jnp.sum(cnt_scr[...] * oh, axis=1, keepdims=True)
        bas = jnp.sum(base_scr[...] * oh, axis=1, keepdims=True)
        pos = bas + run + rank
        pos_ref[...] = jnp.broadcast_to(pos, (TA, 128)).astype(jnp.int32)

    cnt_scr[...] = cnt_scr[...] + jnp.sum(oh, axis=0, keepdims=True)
    cnt_out_ref[...] = jnp.broadcast_to(cnt_scr[...], (TA, NE))


def _run_router(x, gate_w):
    return pl.pallas_call(
        _router_body,
        grid=(2, NTA),
        in_specs=[
            pl.BlockSpec((TA, D), lambda p, g: ((1 - p) * g, 0)),
            pl.BlockSpec((NE, D), lambda p, g: (0, 0)),
        ],
        out_specs=[
            pl.BlockSpec((TA, NE), lambda p, g: (g, 0)),
            pl.BlockSpec((TA, 128), lambda p, g: (g, 0)),
            pl.BlockSpec((TA, NE), lambda p, g: (g, 0)),
        ],
        out_shape=[
            jax.ShapeDtypeStruct((N, NE), jnp.float32),
            jax.ShapeDtypeStruct((N, 128), jnp.int32),
            jax.ShapeDtypeStruct((N, NE), jnp.float32),
        ],
        scratch_shapes=[
            pltpu.VMEM((1, NE), jnp.float32),
            pltpu.VMEM((1, NE), jnp.float32),
            pltpu.VMEM((N, NE), jnp.float32),
        ],
    )(x, gate_w)



@functools.lru_cache(maxsize=None)
def _sc_kernels():
    mesh = plsc.VectorSubcoreMesh(core_axis_name="c", subcore_axis_name="s")

    @functools.partial(
        pl.kernel,
        mesh=mesh,
        out_type=jax.ShapeDtypeStruct((NDISP, D), jnp.float32),
        scratch_types=[
            pltpu.VMEM((CH,), jnp.int32),
            pltpu.VMEM((CH, D), jnp.float32),
            pltpu.SemaphoreType.DMA,
        ],
    )
    def sc_dispatch(x_hbm, cpos_hbm, xdisp_hbm, idx_v, rows_v, sem):
        wid = lax.axis_index("s") * 2 + lax.axis_index("c")
        base = wid * TPW
        for j in range(TPW // CH):
            b = base + j * CH
            pltpu.sync_copy(cpos_hbm.at[pl.ds(b, CH)], idx_v)
            pltpu.sync_copy(x_hbm.at[pl.ds(b, CH)], rows_v)
            pltpu.async_copy(rows_v, xdisp_hbm.at[idx_v], sem).wait()

    @functools.partial(
        pl.kernel,
        mesh=mesh,
        out_type=jax.ShapeDtypeStruct((N, D), jnp.float32),
        scratch_types=[
            pltpu.VMEM((CH,), jnp.int32),
            pltpu.VMEM((CH, D), jnp.float32),
            pltpu.SemaphoreType.DMA,
        ],
    )
    def sc_combine(ydisp_hbm, cpos_hbm, out_hbm, idx_v, rows_v, sem):
        wid = lax.axis_index("s") * 2 + lax.axis_index("c")
        base = wid * TPW
        for j in range(TPW // CH):
            b = base + j * CH
            pltpu.sync_copy(cpos_hbm.at[pl.ds(b, CH)], idx_v)
            pltpu.async_copy(ydisp_hbm.at[idx_v], rows_v, sem).wait()
            pltpu.sync_copy(rows_v, out_hbm.at[pl.ds(b, CH)])

    return sc_dispatch, sc_combine



FH = FC // 2
D2 = D // 2
TH = TT // 2


def _ffn_body(te_ref, nr_ref, xb_ref, xd_ref,
              wga_ref, wgb_ref, wua_ref, wub_ref, wda_ref, wdb_ref, out_ref):
    g = pl.program_id(0)
    f = pl.program_id(1)

    dn = (((1,), (1,)), ((), ()))

    def rows(lo):
        xt = xd_ref[lo:lo + TH, :]

        def half(wg_ref, wu_ref):
            gg = lax.dot_general(xt, wg_ref[0, 0], dn,
                                 preferred_element_type=jnp.float32)
            uu = lax.dot_general(xt, wu_ref[0, 0], dn,
                                 preferred_element_type=jnp.float32)
            return gg * jax.nn.sigmoid(gg) * uu

        hh = jnp.concatenate(
            [half(wga_ref, wua_ref), half(wgb_ref, wub_ref)], axis=1)
        pa = lax.dot_general(hh, wda_ref[0], dn,
                             preferred_element_type=jnp.float32)
        pb = lax.dot_general(hh, wdb_ref[0], dn,
                             preferred_element_type=jnp.float32)

        @pl.when(f == 0)
        def _():
            out_ref[lo:lo + TH, :D2] = pa
            out_ref[lo:lo + TH, D2:] = pb

        @pl.when(f > 0)
        def _():
            out_ref[lo:lo + TH, :D2] = out_ref[lo:lo + TH, :D2] + pa
            out_ref[lo:lo + TH, D2:] = out_ref[lo:lo + TH, D2:] + pb

    @pl.when(nr_ref[g] > 0)
    def _():
        rows(0)

    @pl.when(nr_ref[g] > TH)
    def _():
        rows(TH)


def _run_ffn(tile_expert, tile_nrows, tile_xblk, xdisp, wg, wu, wd):
    wgr = wg.reshape(NE, 2 * NFC, FH, D)
    wur = wu.reshape(NE, 2 * NFC, FH, D)
    grid_spec = pltpu.PrefetchScalarGridSpec(
        num_scalar_prefetch=3,
        grid=(GMAX, NFC),
        in_specs=[
            pl.BlockSpec((TT, D), lambda g, f, te, nr, xb: (xb[g], 0)),
            pl.BlockSpec((1, 1, FH, D),
                         lambda g, f, te, nr, xb: (te[g], 2 * f, 0, 0)),
            pl.BlockSpec((1, 1, FH, D),
                         lambda g, f, te, nr, xb: (te[g], 2 * f + 1, 0, 0)),
            pl.BlockSpec((1, 1, FH, D),
                         lambda g, f, te, nr, xb: (te[g], 2 * f, 0, 0)),
            pl.BlockSpec((1, 1, FH, D),
                         lambda g, f, te, nr, xb: (te[g], 2 * f + 1, 0, 0)),
            pl.BlockSpec((1, D2, FC),
                         lambda g, f, te, nr, xb: (te[g], 0, f)),
            pl.BlockSpec((1, D2, FC),
                         lambda g, f, te, nr, xb: (te[g], 1, f)),
        ],
        out_specs=pl.BlockSpec((TT, D), lambda g, f, te, nr, xb: (g, 0)),
    )
    return pl.pallas_call(
        _ffn_body,
        grid_spec=grid_spec,
        out_shape=jax.ShapeDtypeStruct((NDISP, D), jnp.float32),
        compiler_params=pltpu.CompilerParams(
            dimension_semantics=("parallel", "arbitrary"),
            vmem_limit_bytes=63 * 1024 * 1024),
    )(tile_expert, tile_nrows, tile_xblk, xdisp, wgr, wgr, wur, wur, wd, wd)



@jax.jit
def kernel(hidden_states, gate_w, gate_proj_w, up_proj_w, down_proj_w):
    b, s, d = hidden_states.shape
    x = hidden_states.reshape(N, D)

    router_logits, pos_out, cnt_out = _run_router(x, gate_w)
    cpos = pos_out[:, 0]
    counts = cnt_out[-1].astype(jnp.int32)

    tiles_per_e = (counts + (TT - 1)) // TT
    tile_expert = jnp.repeat(jnp.arange(NE, dtype=jnp.int32), tiles_per_e,
                             total_repeat_length=GMAX)
    base_tile = jnp.cumsum(tiles_per_e) - tiles_per_e
    slot = jnp.arange(GMAX, dtype=jnp.int32) - base_tile[tile_expert]
    tile_nrows = jnp.clip(counts[tile_expert] - slot * TT, 0, TT)
    nvalid = jnp.sum(tiles_per_e).astype(jnp.int32)
    tile_xblk = jnp.minimum(jnp.arange(GMAX, dtype=jnp.int32), nvalid - 1)

    sc_dispatch, sc_combine = _sc_kernels()
    xdisp = sc_dispatch(x, cpos)
    ydisp = _run_ffn(tile_expert, tile_nrows, tile_xblk, xdisp,
                     gate_proj_w, up_proj_w, down_proj_w)
    final = sc_combine(ydisp, cpos)

    return (final.reshape(b, s, d), router_logits)

# --- scband reference (transcript-rebuilt; emitter-appended) ---
"""Pipeline reference for scband-g2-mo-egrinmoe-layer-54863912239458 (READ-ONLY COPY).

The authoritative reference and input builder live on the scoring server;
editing this copy changes nothing except your own understanding.
"""

import jax, jax.numpy as jnp
import numpy as np

B, S = 1, 2048
HIDDEN = 2048
FFN = 4096
E = 8
JITTER = 0.01


def setup_inputs(seed: int = 0) -> dict:
    key = jax.random.key(seed)
    ks = jax.random.split(key, 5)
    hidden_states = jax.random.normal(ks[0], (B, S, HIDDEN), dtype=jnp.float32)
    gate_w = jax.random.normal(ks[1], (E, HIDDEN), dtype=jnp.float32) * 0.02
    gate_proj_w = jax.random.normal(ks[2], (E, FFN, HIDDEN), dtype=jnp.float32) * 0.02
    up_proj_w = jax.random.normal(ks[3], (E, FFN, HIDDEN), dtype=jnp.float32) * 0.02
    down_proj_w = jax.random.normal(ks[4], (E, HIDDEN, FFN), dtype=jnp.float32) * 0.02
    return {"hidden_states": hidden_states, "gate_w": gate_w, "gate_proj_w": gate_proj_w, "up_proj_w": up_proj_w, "down_proj_w": down_proj_w}


def _sparsemixer_eval(scores, jitter_eps):
    # top-1 branch (eval path: no gumbel noise, selected = argmax)
    mx = jnp.max(scores, axis=-1, keepdims=True)
    max_ind = jnp.argmax(scores, axis=-1, keepdims=True)
    factor = jnp.maximum(jnp.abs(scores), mx)  # scores.abs().clamp(min=mx)
    mask = (mx - scores) / factor > 2.0 * jitter_eps
    masked_gates = jnp.where(mask, -jnp.inf, scores)
    selected_experts = max_ind
    masked_gates_sm = jax.nn.softmax(masked_gates, axis=-1)
    multiplier = jnp.take_along_axis(masked_gates_sm, selected_experts, axis=-1)
    # mask out the top-1 expert, then repeat for top-2
    top1_onehot = jax.nn.one_hot(selected_experts[:, 0], scores.shape[-1], dtype=bool)
    masked_scores = jnp.where(top1_onehot, -jnp.inf, scores)
    mx2 = jnp.max(masked_scores, axis=-1, keepdims=True)
    max_ind2 = jnp.argmax(masked_scores, axis=-1, keepdims=True)
    factor2 = jnp.maximum(jnp.abs(scores), mx2)
    mask2 = (mx2 - scores) / factor2 > 2.0 * jitter_eps
    masked_gates_top2 = jnp.where(mask2, -jnp.inf, masked_scores)
    selected_experts_top2 = max_ind2
    masked_gates_top2_sm = jax.nn.softmax(masked_gates_top2, axis=-1)
    multiplier_top2 = jnp.take_along_axis(masked_gates_top2_sm, selected_experts_top2, axis=-1)
    multiplier_all = jnp.concatenate((multiplier, multiplier_top2), axis=-1)
    selected_all = jnp.concatenate((selected_experts, selected_experts_top2), axis=-1)
    return multiplier_all, selected_all


def reference(hidden_states, gate_w, gate_proj_w, up_proj_w, down_proj_w):
    b, s, d = hidden_states.shape
    x = hidden_states.reshape(-1, d)
    router_logits = x @ gate_w.T
    routing_weights, selected_experts = _sparsemixer_eval(router_logits, JITTER)
    # NOTE: original module only dispatches on top-1 index and does NOT apply
    # routing_weights to expert outputs (faithful reproduction).
    top1 = selected_experts[:, 0]
    final = jnp.zeros((b * s, d), dtype=x.dtype)
    for e in range(E):
        sel = (top1 == e)[:, None]
        g = x @ gate_proj_w[e].T
        u = x @ up_proj_w[e].T
        out = (jax.nn.silu(g) * u) @ down_proj_w[e].T
        final = final + jnp.where(sel, out, jnp.zeros_like(out))
    return (final.reshape(b, s, d), router_logits)

if __name__ == "__main__":
    import jax
    _d = setup_inputs()
    print(jax.jit(kernel)(*tuple(_d.values())))

</pallas_src>

<mosaic_0001>
#map = affine_map<(d0, d1) -> (0, 0)>
#map1 = affine_map<(d0, d1) -> (0)>
module attributes {stable_mosaic.version = 14 : i64} {
  func.func @sc_dispatch(%arg0: i32, %arg1: i32, %arg2: memref<2048x2048xf32, #tpu.memory_space<hbm>>, %arg3: memref<2048xi32, #tpu.memory_space<hbm>>, %arg4: memref<5632x2048xf32, #tpu.memory_space<hbm>>, %arg5: memref<32xi32, #tpu.memory_space<vmem>>, %arg6: memref<32x2048xf32, #tpu.memory_space<vmem>>, %arg7: memref<!tpu.dma_semaphore, #tpu.memory_space<semaphore_mem>>) attributes {dimension_semantics = [#tpu.dimension_semantics<core_parallel>, #tpu.dimension_semantics<subcore_parallel>], iteration_bounds = array<i64: 2, 16>, scalar_prefetch = 0 : i64, scratch_operands = 3 : i64, tpu.core_type = #tpu.core_type<sc_vector_subcore>, window_params = [{transform_indices = #map}, {transform_indices = #map1}, {transform_indices = #map}]} {
    %mul3A = arith.constant 2 : i32
    %mul3A_0 = arith.muli %arg1, %mul3A : i32
    %add3A = arith.addi %mul3A_0, %arg0 : i32
    %mul3A_1 = arith.constant 64 : i32
    %mul3A_2 = arith.muli %add3A, %mul3A_1 : i32
    %add3A_3 = arith.constant 0 : i32
    %add3A_4 = arith.addi %mul3A_2, %add3A_3 : i32
    "tpu.region"() ({
      %run_scoped3A = tpu.sem_alloc : memref<!tpu.dma_semaphore, #tpu.memory_space<semaphore_mem>>
      %dma_start3A_17 = tpu.memref_slice %arg3[%add3A_4] : memref<2048xi32, #tpu.memory_space<hbm>> -> memref<32xi32, #tpu.memory_space<hbm>>
      %dma_start3A_18 = tpu.memref_slice %arg3[%add3A_4] : memref<2048xi32, #tpu.memory_space<hbm>> -> memref<32xi32, #tpu.memory_space<hbm>>
      tpu.enqueue_dma source(%dma_start3A_18 : memref<32xi32, #tpu.memory_space<hbm>>) target(%arg5 : memref<32xi32, #tpu.memory_space<vmem>>) target_semaphore(%run_scoped3A : memref<!tpu.dma_semaphore, #tpu.memory_space<semaphore_mem>>)
      %dma_wait3A_19 = tpu.memref_slice %arg3[%add3A_4] : memref<2048xi32, #tpu.memory_space<hbm>> -> memref<32xi32, #tpu.memory_space<hbm>>
      %dma_wait3A_20 = tpu.memref_slice %arg3[%add3A_4] : memref<2048xi32, #tpu.memory_space<hbm>> -> memref<32xi32, #tpu.memory_space<hbm>>
      tpu.wait_dma2 semaphore(%run_scoped3A : memref<!tpu.dma_semaphore, #tpu.memory_space<semaphore_mem>>) src(%dma_wait3A_20 : memref<32xi32, #tpu.memory_space<hbm>>) dst(%arg5 : memref<32xi32, #tpu.memory_space<vmem>>)
      tpu.yield
    }) : () -> ()
    "tpu.region"() ({
      %run_scoped3A = tpu.sem_alloc : memref<!tpu.dma_semaphore, #tpu.memory_space<semaphore_mem>>
      %dma_start3A_17 = arith.constant 0 : i32
      %dma_start3A_18 = tpu.memref_slice %arg2[%add3A_4, %dma_start3A_17] : memref<2048x2048xf32, #tpu.memory_space<hbm>> -> memref<32x2048xf32, #tpu.memory_space<hbm>>
      %dma_start3A_19 = arith.constant 0 : i32
      %dma_start3A_20 = tpu.memref_slice %arg2[%add3A_4, %dma_start3A_19] : memref<2048x2048xf32, #tpu.memory_space<hbm>> -> memref<32x2048xf32, #tpu.memory_space<hbm>>
      tpu.enqueue_dma source(%dma_start3A_20 : memref<32x2048xf32, #tpu.memory_space<hbm>>) target(%arg6 : memref<32x2048xf32, #tpu.memory_space<vmem>>) target_semaphore(%run_scoped3A : memref<!tpu.dma_semaphore, #tpu.memory_space<semaphore_mem>>)
      %dma_wait3A_21 = arith.constant 0 : i32
      %dma_wait3A_22 = tpu.memref_slice %arg2[%add3A_4, %dma_wait3A_21] : memref<2048x2048xf32, #tpu.memory_space<hbm>> -> memref<32x2048xf32, #tpu.memory_space<hbm>>
      %dma_wait3A_23 = arith.constant 0 : i32
      %dma_wait3A_24 = tpu.memref_slice %arg2[%add3A_4, %dma_wait3A_23] : memref<2048x2048xf32, #tpu.memory_space<hbm>> -> memref<32x2048xf32, #tpu.memory_space<hbm>>
      tpu.wait_dma2 semaphore(%run_scoped3A : memref<!tpu.dma_semaphore, #tpu.memory_space<semaphore_mem>>) src(%dma_wait3A_24 : memref<32x2048xf32, #tpu.memory_space<hbm>>) dst(%arg6 : memref<32x2048xf32, #tpu.memory_space<vmem>>)
      tpu.yield
    }) : () -> ()
    %dma_start3A = arith.constant 0 : i32
    %dma_start3A_5 = arith.constant 0 : i32
    %dma_start3A_6 = tpu.memref_slice %arg4[%dma_start3A, %dma_start3A_5] : memref<5632x2048xf32, #tpu.memory_space<hbm>> -> memref<5632x2048xf32, #tpu.memory_space<hbm>>
    tpu.enqueue_indirect_dma source(%arg6 : memref<32x2048xf32, #tpu.memory_space<vmem>>) target(%dma_start3A_6 : memref<5632x2048xf32, #tpu.memory_space<hbm>>) offsets(%arg5 : memref<32xi32, #tpu.memory_space<vmem>>) semaphore(%arg7 : memref<!tpu.dma_semaphore, #tpu.memory_space<semaphore_mem>>)
    %dma_wait3A = arith.constant 0 : i32
    %dma_wait3A_7 = arith.constant 0 : i32
    %dma_wait3A_8 = tpu.memref_slice %arg4[%dma_wait3A, %dma_wait3A_7] : memref<5632x2048xf32, #tpu.memory_space<hbm>> -> memref<5632x2048xf32, #tpu.memory_space<hbm>>
    tpu.wait_indirect_dma semaphore(%arg7 : memref<!tpu.dma_semaphore, #tpu.memory_space<semaphore_mem>>) src(%arg6 : memref<32x2048xf32, #tpu.memory_space<vmem>>) dst(%dma_wait3A_8 : memref<5632x2048xf32, #tpu.memory_space<hbm>>)
    %add3A_9 = arith.constant 32 : i32
    %add3A_10 = arith.addi %mul3A_2, %add3A_9 : i32
    "tpu.region"() ({
      %run_scoped3A = tpu.sem_alloc : memref<!tpu.dma_semaphore, #tpu.memory_space<semaphore_mem>>
      %dma_start3A_17 = tpu.memref_slice %arg3[%add3A_10] : memref<2048xi32, #tpu.memory_space<hbm>> -> memref<32xi32, #tpu.memory_space<hbm>>
      %dma_start3A_18 = tpu.memref_slice %arg3[%add3A_10] : memref<2048xi32, #tpu.memory_space<hbm>> -> memref<32xi32, #tpu.memory_space<hbm>>
      tpu.enqueue_dma source(%dma_start3A_18 : memref<32xi32, #tpu.memory_space<hbm>>) target(%arg5 : memref<32xi32, #tpu.memory_space<vmem>>) target_semaphore(%run_scoped3A : memref<!tpu.dma_semaphore, #tpu.memory_space<semaphore_mem>>)
      %dma_wait3A_19 = tpu.memref_slice %arg3[%add3A_10] : memref<2048xi32, #tpu.memory_space<hbm>> -> memref<32xi32, #tpu.memory_space<hbm>>
      %dma_wait3A_20 = tpu.memref_slice %arg3[%add3A_10] : memref<2048xi32, #tpu.memory_space<hbm>> -> memref<32xi32, #tpu.memory_space<hbm>>
      tpu.wait_dma2 semaphore(%run_scoped3A : memref<!tpu.dma_semaphore, #tpu.memory_space<semaphore_mem>>) src(%dma_wait3A_20 : memref<32xi32, #tpu.memory_space<hbm>>) dst(%arg5 : memref<32xi32, #tpu.memory_space<vmem>>)
      tpu.yield
    }) : () -> ()
    "tpu.region"() ({
      %run_scoped3A = tpu.sem_alloc : memref<!tpu.dma_semaphore, #tpu.memory_space<semaphore_mem>>
      %dma_start3A_17 = arith.constant 0 : i32
      %dma_start3A_18 = tpu.memref_slice %arg2[%add3A_10, %dma_start3A_17] : memref<2048x2048xf32, #tpu.memory_space<hbm>> -> memref<32x2048xf32, #tpu.memory_space<hbm>>
      %dma_start3A_19 = arith.constant 0 : i32
      %dma_start3A_20 = tpu.memref_slice %arg2[%add3A_10, %dma_start3A_19] : memref<2048x2048xf32, #tpu.memory_space<hbm>> -> memref<32x2048xf32, #tpu.memory_space<hbm>>
      tpu.enqueue_dma source(%dma_start3A_20 : memref<32x2048xf32, #tpu.memory_space<hbm>>) target(%arg6 : memref<32x2048xf32, #tpu.memory_space<vmem>>) target_semaphore(%run_scoped3A : memref<!tpu.dma_semaphore, #tpu.memory_space<semaphore_mem>>)
      %dma_wait3A_21 = arith.constant 0 : i32
      %dma_wait3A_22 = tpu.memref_slice %arg2[%add3A_10, %dma_wait3A_21] : memref<2048x2048xf32, #tpu.memory_space<hbm>> -> memref<32x2048xf32, #tpu.memory_space<hbm>>
      %dma_wait3A_23 = arith.constant 0 : i32
      %dma_wait3A_24 = tpu.memref_slice %arg2[%add3A_10, %dma_wait3A_23] : memref<2048x2048xf32, #tpu.memory_space<hbm>> -> memref<32x2048xf32, #tpu.memory_space<hbm>>
      tpu.wait_dma2 semaphore(%run_scoped3A : memref<!tpu.dma_semaphore, #tpu.memory_space<semaphore_mem>>) src(%dma_wait3A_24 : memref<32x2048xf32, #tpu.memory_space<hbm>>) dst(%arg6 : memref<32x2048xf32, #tpu.memory_space<vmem>>)
      tpu.yield
    }) : () -> ()
    %dma_start3A_11 = arith.constant 0 : i32
    %dma_start3A_12 = arith.constant 0 : i32
    %dma_start3A_13 = tpu.memref_slice %arg4[%dma_start3A_11, %dma_start3A_12] : memref<5632x2048xf32, #tpu.memory_space<hbm>> -> memref<5632x2048xf32, #tpu.memory_space<hbm>>
    tpu.enqueue_indirect_dma source(%arg6 : memref<32x2048xf32, #tpu.memory_space<vmem>>) target(%dma_start3A_13 : memref<5632x2048xf32, #tpu.memory_space<hbm>>) offsets(%arg5 : memref<32xi32, #tpu.memory_space<vmem>>) semaphore(%arg7 : memref<!tpu.dma_semaphore, #tpu.memory_space<semaphore_mem>>)
    %dma_wait3A_14 = arith.constant 0 : i32
    %dma_wait3A_15 = arith.constant 0 : i32
    %dma_wait3A_16 = tpu.memref_slice %arg4[%dma_wait3A_14, %dma_wait3A_15] : memref<5632x2048xf32, #tpu.memory_space<hbm>> -> memref<5632x2048xf32, #tpu.memory_space<hbm>>
    tpu.wait_indirect_dma semaphore(%arg7 : memref<!tpu.dma_semaphore, #tpu.memory_space<semaphore_mem>>) src(%arg6 : memref<32x2048xf32, #tpu.memory_space<vmem>>) dst(%dma_wait3A_16 : memref<5632x2048xf32, #tpu.memory_space<hbm>>)
    return
  }
}

#map = affine_map<(d0, d1) -> (0, 0)>
#map1 = affine_map<(d0, d1) -> (0)>
module attributes {stable_mosaic.version = 14 : i64} {
  func.func @sc_combine(%arg0: i32, %arg1: i32, %arg2: memref<5632x2048xf32, #tpu.memory_space<hbm>>, %arg3: memref<2048xi32, #tpu.memory_space<hbm>>, %arg4: memref<2048x2048xf32, #tpu.memory_space<hbm>>, %arg5: memref<32xi32, #tpu.memory_space<vmem>>, %arg6: memref<32x2048xf32, #tpu.memory_space<vmem>>, %arg7: memref<!tpu.dma_semaphore, #tpu.memory_space<semaphore_mem>>) attributes {dimension_semantics = [#tpu.dimension_semantics<core_parallel>, #tpu.dimension_semantics<subcore_parallel>], iteration_bounds = array<i64: 2, 16>, scalar_prefetch = 0 : i64, scratch_operands = 3 : i64, tpu.core_type = #tpu.core_type<sc_vector_subcore>, window_params = [{transform_indices = #map}, {transform_indices = #map1}, {transform_indices = #map}]} {
    %mul3A = arith.constant 2 : i32
    %mul3A_0 = arith.muli %arg1, %mul3A : i32
    %add3A = arith.addi %mul3A_0, %arg0 : i32
    %mul3A_1 = arith.constant 64 : i32
    %mul3A_2 = arith.muli %add3A, %mul3A_1 : i32
    %add3A_3 = arith.constant 0 : i32
    %add3A_4 = arith.addi %mul3A_2, %add3A_3 : i32
    "tpu.region"() ({
      %run_scoped3A = tpu.sem_alloc : memref<!tpu.dma_semaphore, #tpu.memory_space<semaphore_mem>>
      %dma_start3A_17 = tpu.memref_slice %arg3[%add3A_4] : memref<2048xi32, #tpu.memory_space<hbm>> -> memref<32xi32, #tpu.memory_space<hbm>>
      %dma_start3A_18 = tpu.memref_slice %arg3[%add3A_4] : memref<2048xi32, #tpu.memory_space<hbm>> -> memref<32xi32, #tpu.memory_space<hbm>>
      tpu.enqueue_dma source(%dma_start3A_18 : memref<32xi32, #tpu.memory_space<hbm>>) target(%arg5 : memref<32xi32, #tpu.memory_space<vmem>>) target_semaphore(%run_scoped3A : memref<!tpu.dma_semaphore, #tpu.memory_space<semaphore_mem>>)
      %dma_wait3A_19 = tpu.memref_slice %arg3[%add3A_4] : memref<2048xi32, #tpu.memory_space<hbm>> -> memref<32xi32, #tpu.memory_space<hbm>>
      %dma_wait3A_20 = tpu.memref_slice %arg3[%add3A_4] : memref<2048xi32, #tpu.memory_space<hbm>> -> memref<32xi32, #tpu.memory_space<hbm>>
      tpu.wait_dma2 semaphore(%run_scoped3A : memref<!tpu.dma_semaphore, #tpu.memory_space<semaphore_mem>>) src(%dma_wait3A_20 : memref<32xi32, #tpu.memory_space<hbm>>) dst(%arg5 : memref<32xi32, #tpu.memory_space<vmem>>)
      tpu.yield
    }) : () -> ()
    %dma_start3A = arith.constant 0 : i32
    %dma_start3A_5 = arith.constant 0 : i32
    %dma_start3A_6 = tpu.memref_slice %arg2[%dma_start3A, %dma_start3A_5] : memref<5632x2048xf32, #tpu.memory_space<hbm>> -> memref<5632x2048xf32, #tpu.memory_space<hbm>>
    tpu.enqueue_indirect_dma source(%dma_start3A_6 : memref<5632x2048xf32, #tpu.memory_space<hbm>>) target(%arg6 : memref<32x2048xf32, #tpu.memory_space<vmem>>) offsets(%arg5 : memref<32xi32, #tpu.memory_space<vmem>>) semaphore(%arg7 : memref<!tpu.dma_semaphore, #tpu.memory_space<semaphore_mem>>)
    %dma_wait3A = arith.constant 0 : i32
    %dma_wait3A_7 = arith.constant 0 : i32
    %dma_wait3A_8 = tpu.memref_slice %arg2[%dma_wait3A, %dma_wait3A_7] : memref<5632x2048xf32, #tpu.memory_space<hbm>> -> memref<5632x2048xf32, #tpu.memory_space<hbm>>
    tpu.wait_indirect_dma semaphore(%arg7 : memref<!tpu.dma_semaphore, #tpu.memory_space<semaphore_mem>>) src(%dma_wait3A_8 : memref<5632x2048xf32, #tpu.memory_space<hbm>>) dst(%arg6 : memref<32x2048xf32, #tpu.memory_space<vmem>>)
    "tpu.region"() ({
      %run_scoped3A = tpu.sem_alloc : memref<!tpu.dma_semaphore, #tpu.memory_space<semaphore_mem>>
      %dma_start3A_17 = arith.constant 0 : i32
      %dma_start3A_18 = tpu.memref_slice %arg4[%add3A_4, %dma_start3A_17] : memref<2048x2048xf32, #tpu.memory_space<hbm>> -> memref<32x2048xf32, #tpu.memory_space<hbm>>
      %dma_start3A_19 = arith.constant 0 : i32
      %dma_start3A_20 = tpu.memref_slice %arg4[%add3A_4, %dma_start3A_19] : memref<2048x2048xf32, #tpu.memory_space<hbm>> -> memref<32x2048xf32, #tpu.memory_space<hbm>>
      tpu.enqueue_dma source(%arg6 : memref<32x2048xf32, #tpu.memory_space<vmem>>) target(%dma_start3A_20 : memref<32x2048xf32, #tpu.memory_space<hbm>>) target_semaphore(%run_scoped3A : memref<!tpu.dma_semaphore, #tpu.memory_space<semaphore_mem>>)
      %dma_wait3A_21 = arith.constant 0 : i32
      %dma_wait3A_22 = tpu.memref_slice %arg4[%add3A_4, %dma_wait3A_21] : memref<2048x2048xf32, #tpu.memory_space<hbm>> -> memref<32x2048xf32, #tpu.memory_space<hbm>>
      %dma_wait3A_23 = arith.constant 0 : i32
      %dma_wait3A_24 = tpu.memref_slice %arg4[%add3A_4, %dma_wait3A_23] : memref<2048x2048xf32, #tpu.memory_space<hbm>> -> memref<32x2048xf32, #tpu.memory_space<hbm>>
      tpu.wait_dma2 semaphore(%run_scoped3A : memref<!tpu.dma_semaphore, #tpu.memory_space<semaphore_mem>>) src(%arg6 : memref<32x2048xf32, #tpu.memory_space<vmem>>) dst(%dma_wait3A_24 : memref<32x2048xf32, #tpu.memory_space<hbm>>)
      tpu.yield
    }) : () -> ()
    %add3A_9 = arith.constant 32 : i32
    %add3A_10 = arith.addi %mul3A_2, %add3A_9 : i32
    "tpu.region"() ({
      %run_scoped3A = tpu.sem_alloc : memref<!tpu.dma_semaphore, #tpu.memory_space<semaphore_mem>>
      %dma_start3A_17 = tpu.memref_slice %arg3[%add3A_10] : memref<2048xi32, #tpu.memory_space<hbm>> -> memref<32xi32, #tpu.memory_space<hbm>>
      %dma_start3A_18 = tpu.memref_slice %arg3[%add3A_10] : memref<2048xi32, #tpu.memory_space<hbm>> -> memref<32xi32, #tpu.memory_space<hbm>>
      tpu.enqueue_dma source(%dma_start3A_18 : memref<32xi32, #tpu.memory_space<hbm>>) target(%arg5 : memref<32xi32, #tpu.memory_space<vmem>>) target_semaphore(%run_scoped3A : memref<!tpu.dma_semaphore, #tpu.memory_space<semaphore_mem>>)
      %dma_wait3A_19 = tpu.memref_slice %arg3[%add3A_10] : memref<2048xi32, #tpu.memory_space<hbm>> -> memref<32xi32, #tpu.memory_space<hbm>>
      %dma_wait3A_20 = tpu.memref_slice %arg3[%add3A_10] : memref<2048xi32, #tpu.memory_space<hbm>> -> memref<32xi32, #tpu.memory_space<hbm>>
      tpu.wait_dma2 semaphore(%run_scoped3A : memref<!tpu.dma_semaphore, #tpu.memory_space<semaphore_mem>>) src(%dma_wait3A_20 : memref<32xi32, #tpu.memory_space<hbm>>) dst(%arg5 : memref<32xi32, #tpu.memory_space<vmem>>)
      tpu.yield
    }) : () -> ()
    %dma_start3A_11 = arith.constant 0 : i32
    %dma_start3A_12 = arith.constant 0 : i32
    %dma_start3A_13 = tpu.memref_slice %arg2[%dma_start3A_11, %dma_start3A_12] : memref<5632x2048xf32, #tpu.memory_space<hbm>> -> memref<5632x2048xf32, #tpu.memory_space<hbm>>
    tpu.enqueue_indirect_dma source(%dma_start3A_13 : memref<5632x2048xf32, #tpu.memory_space<hbm>>) target(%arg6 : memref<32x2048xf32, #tpu.memory_space<vmem>>) offsets(%arg5 : memref<32xi32, #tpu.memory_space<vmem>>) semaphore(%arg7 : memref<!tpu.dma_semaphore, #tpu.memory_space<semaphore_mem>>)
    %dma_wait3A_14 = arith.constant 0 : i32
    %dma_wait3A_15 = arith.constant 0 : i32
    %dma_wait3A_16 = tpu.memref_slice %arg2[%dma_wait3A_14, %dma_wait3A_15] : memref<5632x2048xf32, #tpu.memory_space<hbm>> -> memref<5632x2048xf32, #tpu.memory_space<hbm>>
    tpu.wait_indirect_dma semaphore(%arg7 : memref<!tpu.dma_semaphore, #tpu.memory_space<semaphore_mem>>) src(%dma_wait3A_16 : memref<5632x2048xf32, #tpu.memory_space<hbm>>) dst(%arg6 : memref<32x2048xf32, #tpu.memory_space<vmem>>)
    "tpu.region"() ({
      %run_scoped3A = tpu.sem_alloc : memref<!tpu.dma_semaphore, #tpu.memory_space<semaphore_mem>>
      %dma_start3A_17 = arith.constant 0 : i32
      %dma_start3A_18 = tpu.memref_slice %arg4[%add3A_10, %dma_start3A_17] : memref<2048x2048xf32, #tpu.memory_space<hbm>> -> memref<32x2048xf32, #tpu.memory_space<hbm>>
      %dma_start3A_19 = arith.constant 0 : i32
      %dma_start3A_20 = tpu.memref_slice %arg4[%add3A_10, %dma_start3A_19] : memref<2048x2048xf32, #tpu.memory_space<hbm>> -> memref<32x2048xf32, #tpu.memory_space<hbm>>
      tpu.enqueue_dma source(%arg6 : memref<32x2048xf32, #tpu.memory_space<vmem>>) target(%dma_start3A_20 : memref<32x2048xf32, #tpu.memory_space<hbm>>) target_semaphore(%run_scoped3A : memref<!tpu.dma_semaphore, #tpu.memory_space<semaphore_mem>>)
      %dma_wait3A_21 = arith.constant 0 : i32
      %dma_wait3A_22 = tpu.memref_slice %arg4[%add3A_10, %dma_wait3A_21] : memref<2048x2048xf32, #tpu.memory_space<hbm>> -> memref<32x2048xf32, #tpu.memory_space<hbm>>
      %dma_wait3A_23 = arith.constant 0 : i32
      %dma_wait3A_24 = tpu.memref_slice %arg4[%add3A_10, %dma_wait3A_23] : memref<2048x2048xf32, #tpu.memory_space<hbm>> -> memref<32x2048xf32, #tpu.memory_space<hbm>>
      tpu.wait_dma2 semaphore(%run_scoped3A : memref<!tpu.dma_semaphore, #tpu.memory_space<semaphore_mem>>) src(%arg6 : memref<32x2048xf32, #tpu.memory_space<vmem>>) dst(%dma_wait3A_24 : memref<32x2048xf32, #tpu.memory_space<hbm>>)
      tpu.yield
    }) : () -> ()
    return
  }
}

module attributes {stable_mosaic.version = 14 : i64} {
  func.func @_router_body(%arg0: i32, %arg1: i32, %arg2: memref<256x2048xf32, #tpu.memory_space<vmem>>, %arg3: memref<8x2048xf32, #tpu.memory_space<vmem>>, %arg4: memref<256x8xf32, #tpu.memory_space<vmem>>, %arg5: memref<256x128xi32, #tpu.memory_space<vmem>>, %arg6: memref<256x8xf32, #tpu.memory_space<vmem>>, %arg7: memref<1x8xf32, #tpu.memory_space<vmem>>, %arg8: memref<1x8xf32, #tpu.memory_space<vmem>>, %arg9: memref<2048x8xf32, #tpu.memory_space<vmem>>) attributes {dimension_semantics = [#tpu.dimension_semantics<arbitrary>, #tpu.dimension_semantics<arbitrary>], iteration_bounds = array<i64: 2, 8>, scalar_prefetch = 0 : i64, scratch_operands = 3 : i64, tpu.core_type = #tpu.core_type<tc>, window_params = [{transform_indices = @transform_0, window_bounds = array<i64: 256, 2048>}, {pipeline_mode = #tpu.pipeline_mode<synchronous>, transform_indices = @transform_1, window_bounds = array<i64: 8, 2048>}, {transform_indices = @transform_2, window_bounds = array<i64: 256, 8>}, {transform_indices = @transform_3, window_bounds = array<i64: 256, 128>}, {transform_indices = @transform_4, window_bounds = array<i64: 256, 8>}]} {
    %eq3A = arith.constant 0 : i32
    %eq3A_0 = arith.cmpi eq, %arg0, %eq3A : i32
    %eq3A_1 = arith.constant 0 : i32
    %eq3A_2 = arith.cmpi eq, %arg1, %eq3A_1 : i32
    %and3A = arith.andi %eq3A_0, %eq3A_2 : i1
    %convert_element_type3A = arith.extui %and3A : i1 to i32
    %cond3A = arith.constant 0 : i32
    %cond3A_3 = arith.cmpi ne, %convert_element_type3A, %cond3A : i32
    scf.if %cond3A_3 {
      %broadcast_in_dim3A_53 = arith.constant 0.000000e+00 : f32
      %broadcast_in_dim3A_54 = vector.broadcast %broadcast_in_dim3A_53 : f32 to vector<1x8xf32>
      %swap3A_55 = arith.constant 0 : index
      %swap3A_56 = arith.constant 0 : index
      %swap3A_57 = vector.load %arg7[%swap3A_55, %swap3A_56] : memref<1x8xf32, #tpu.memory_space<vmem>>, vector<1x8xf32>
      tpu.vector_store %arg7[%swap3A_55, %swap3A_56], %broadcast_in_dim3A_54 {strides = array<i32>} : memref<1x8xf32, #tpu.memory_space<vmem>>, vector<1x8xf32>,
    } else {
    }
    %mul3A = arith.constant 256 : i32
    %mul3A_4 = arith.muli %arg1, %mul3A : i32
    %multiple_of3A = tpu.assume_multiple %mul3A_4, 256 : i32
    %eq3A_5 = arith.constant 0 : i32
    %eq3A_6 = arith.cmpi eq, %arg0, %eq3A_5 : i32
    %convert_element_type3A_7 = arith.extui %eq3A_6 : i1 to i32
    %cond3A_8 = arith.constant 0 : i32
    %cond3A_9 = arith.cmpi ne, %convert_element_type3A_7, %cond3A_8 : i32
    scf.if %cond3A_9 {
      %get3A_53 = arith.constant 0 : index
      %get3A_54 = arith.constant 0 : index
      %get3A_55 = vector.load %arg2[%get3A_53, %get3A_54] : memref<256x2048xf32, #tpu.memory_space<vmem>>, vector<256x2048xf32>
      %get3A_56 = arith.constant 0 : index
      %get3A_57 = arith.constant 0 : index
      %get3A_58 = vector.load %arg3[%get3A_56, %get3A_57] : memref<8x2048xf32, #tpu.memory_space<vmem>>, vector<8x2048xf32>
      %dot_general3A = arith.constant dense<0.000000e+00> : vector<256x8xf32>
      %dot_general3A_59 = tpu.matmul %get3A_55, %get3A_58, %dot_general3A {dimension_numbers = #tpu.dot_dimension_numbers<[1], [1], [0], [0], [0, 0, 1, 0], [], []>, transpose_lhs_hint = false} : vector<256x2048xf32>, vector<8x2048xf32>, vector<256x8xf32> -> vector<256x8xf32>
      %swap3A_60 = arith.index_cast %multiple_of3A : i32 to index
      %swap3A_61 = arith.constant 0 : index
      %swap3A_62 = vector.load %arg9[%swap3A_60, %swap3A_61] : memref<2048x8xf32, #tpu.memory_space<vmem>>, vector<256x8xf32>
      tpu.vector_store %arg9[%swap3A_60, %swap3A_61], %dot_general3A_59 {strides = array<i32>} : memref<2048x8xf32, #tpu.memory_space<vmem>>, vector<256x8xf32>,
    } else {
    }
    %get3A = arith.index_cast %multiple_of3A : i32 to index
    %get3A_10 = arith.constant 0 : index
    %get3A_11 = vector.load %arg9[%get3A, %get3A_10] : memref<2048x8xf32, #tpu.memory_space<vmem>>, vector<256x8xf32>
    %iota3A = tpu.iota {dimensions = array<i32: 1>} : vector<256x8xi32>
    %reduce_max3A = arith.constant dense<0xFF800000> : vector<256xf32>
    %reduce_max3A_12 = vector.multi_reduction <maximumf>, %get3A_11, %reduce_max3A [1] : vector<256x8xf32> to vector<256xf32>
    %broadcast_in_dim3A = vector.shape_cast %reduce_max3A_12 : vector<256xf32> to vector<256x1xf32>
    %eq3A_13 = vector.broadcast %broadcast_in_dim3A : vector<256x1xf32> to vector<256x8xf32>
    %eq3A_14 = arith.cmpf oeq, %get3A_11, %eq3A_13 : vector<256x8xf32>
    %jit3A = arith.constant 8 : i32
    %broadcast_in_dim3A_15 = vector.broadcast %jit3A : i32 to vector<256x8xi32>
    %select_n3A = arith.select %eq3A_14, %iota3A, %broadcast_in_dim3A_15 : vector<256x8xi1>, vector<256x8xi32>
    %reduce_min3A = arith.constant dense<2147483647> : vector<256xi32>
    %reduce_min3A_16 = vector.multi_reduction <minsi>, %select_n3A, %reduce_min3A [1] : vector<256x8xi32> to vector<256xi32>
    %broadcast_in_dim3A_17 = vector.shape_cast %reduce_min3A_16 : vector<256xi32> to vector<256x1xi32>
    %eq3A_18 = vector.broadcast %broadcast_in_dim3A_17 : vector<256x1xi32> to vector<256x8xi32>
    %eq3A_19 = arith.cmpi eq, %iota3A, %eq3A_18 : vector<256x8xi32>
    %convert_element_type3A_20 = arith.extui %eq3A_19 : vector<256x8xi1> to vector<256x8xi32>
    %convert_element_type3A_21 = arith.sitofp %convert_element_type3A_20 : vector<256x8xi32> to vector<256x8xf32>
    %swap3A = arith.constant 0 : index
    %swap3A_22 = arith.constant 0 : index
    %swap3A_23 = vector.load %arg4[%swap3A, %swap3A_22] : memref<256x8xf32, #tpu.memory_space<vmem>>, vector<256x8xf32>
    tpu.vector_store %arg4[%swap3A, %swap3A_22], %get3A_11 {strides = array<i32>} : memref<256x8xf32, #tpu.memory_space<vmem>>, vector<256x8xf32>,
    %eq3A_24 = arith.constant 1 : i32
    %eq3A_25 = arith.cmpi eq, %arg0, %eq3A_24 : i32
    %eq3A_26 = arith.constant 0 : i32
    %eq3A_27 = arith.cmpi eq, %arg1, %eq3A_26 : i32
    %and3A_28 = arith.andi %eq3A_25, %eq3A_27 : i1
    %convert_element_type3A_29 = arith.extui %and3A_28 : i1 to i32
    %cond3A_30 = arith.constant 0 : i32
    %cond3A_31 = arith.cmpi ne, %convert_element_type3A_29, %cond3A_30 : i32
    scf.if %cond3A_31 {
      %get3A_53 = arith.constant 0 : index
      %get3A_54 = arith.constant 0 : index
      %get3A_55 = vector.load %arg7[%get3A_53, %get3A_54] : memref<1x8xf32, #tpu.memory_space<vmem>>, vector<1x8xf32>
      %convert_element_type3A_56 = arith.fptosi %get3A_55 : vector<1x8xf32> to vector<1x8xi32>
      %add3A_57 = arith.constant 511 : i32
      %add3A_58 = vector.broadcast %add3A_57 : i32 to vector<1x8xi32>
      %add3A_59 = arith.addi %convert_element_type3A_56, %add3A_58 : vector<1x8xi32>
      %jit3A_60 = arith.constant 512 : i32
      %div3A = vector.broadcast %jit3A_60 : i32 to vector<1x8xi32>
      %div3A_61 = arith.divsi %add3A_59, %div3A : vector<1x8xi32>
      %sign3A = arith.constant 0 : i32
      %sign3A_62 = vector.broadcast %sign3A : i32 to vector<1x8xi32>
      %sign3A_63 = arith.cmpi sgt, %add3A_59, %sign3A_62 : vector<1x8xi32>
      %sign3A_64 = arith.extui %sign3A_63 : vector<1x8xi1> to vector<1x8xi32>
      %sign3A_65 = arith.constant 0 : i32
      %sign3A_66 = vector.broadcast %sign3A_65 : i32 to vector<1x8xi32>
      %sign3A_67 = arith.cmpi slt, %add3A_59, %sign3A_66 : vector<1x8xi32>
      %sign3A_68 = arith.extui %sign3A_67 : vector<1x8xi1> to vector<1x8xi32>
      %sign3A_69 = arith.subi %sign3A_64, %sign3A_68 : vector<1x8xi32>
      %sign3A_70 = arith.constant 0 : i32
      %sign3A_71 = arith.cmpi sgt, %jit3A_60, %sign3A_70 : i32
      %sign3A_72 = arith.extui %sign3A_71 : i1 to i32
      %sign3A_73 = arith.constant 0 : i32
      %sign3A_74 = arith.cmpi slt, %jit3A_60, %sign3A_73 : i32
      %sign3A_75 = arith.extui %sign3A_74 : i1 to i32
      %sign3A_76 = arith.subi %sign3A_72, %sign3A_75 : i32
      %ne3A = vector.broadcast %sign3A_76 : i32 to vector<1x8xi32>
      %ne3A_77 = arith.cmpi ne, %sign3A_69, %ne3A : vector<1x8xi32>
      %rem3A = vector.broadcast %jit3A_60 : i32 to vector<1x8xi32>
      %rem3A_78 = arith.remsi %add3A_59, %rem3A : vector<1x8xi32>
      %ne3A_79 = arith.constant 0 : i32
      %ne3A_80 = vector.broadcast %ne3A_79 : i32 to vector<1x8xi32>
      %ne3A_81 = arith.cmpi ne, %rem3A_78, %ne3A_80 : vector<1x8xi32>
      %and3A_82 = arith.andi %ne3A_77, %ne3A_81 : vector<1x8xi1>
      %sub3A = arith.constant 1 : i32
      %sub3A_83 = vector.broadcast %sub3A : i32 to vector<1x8xi32>
      %sub3A_84 = arith.subi %div3A_61, %sub3A_83 : vector<1x8xi32>
      %select_n3A_85 = arith.select %and3A_82, %sub3A_84, %div3A_61 : vector<1x8xi1>, vector<1x8xi32>
      %mul3A_86 = arith.constant 512 : i32
      %mul3A_87 = vector.broadcast %mul3A_86 : i32 to vector<1x8xi32>
      %mul3A_88 = arith.muli %select_n3A_85, %mul3A_87 : vector<1x8xi32>
      %convert_element_type3A_89 = arith.sitofp %mul3A_88 : vector<1x8xi32> to vector<1x8xf32>
      %iota3A_90 = tpu.iota {dimensions = array<i32: 0>} : vector<8x8xi32>
      %iota3A_91 = tpu.iota {dimensions = array<i32: 1>} : vector<8x8xi32>
      %lt3A = arith.cmpi slt, %iota3A_90, %iota3A_91 : vector<8x8xi32>
      %convert_element_type3A_92 = arith.extui %lt3A : vector<8x8xi1> to vector<8x8xi32>
      %convert_element_type3A_93 = arith.sitofp %convert_element_type3A_92 : vector<8x8xi32> to vector<8x8xf32>
      %dot_general3A = arith.constant dense<0.000000e+00> : vector<1x8xf32>
      %dot_general3A_94 = tpu.matmul %convert_element_type3A_89, %convert_element_type3A_93, %dot_general3A {dimension_numbers = #tpu.dot_dimension_numbers<[1], [0], [0], [1], [0, 0, 1, 1], [], []>, transpose_lhs_hint = false} : vector<1x8xf32>, vector<8x8xf32>, vector<1x8xf32> -> vector<1x8xf32>
      %swap3A_95 = arith.constant 0 : index
      %swap3A_96 = arith.constant 0 : index
      %swap3A_97 = vector.load %arg8[%swap3A_95, %swap3A_96] : memref<1x8xf32, #tpu.memory_space<vmem>>, vector<1x8xf32>
      tpu.vector_store %arg8[%swap3A_95, %swap3A_96], %dot_general3A_94 {strides = array<i32>} : memref<1x8xf32, #tpu.memory_space<vmem>>, vector<1x8xf32>,
      %broadcast_in_dim3A_98 = arith.constant 0.000000e+00 : f32
      %broadcast_in_dim3A_99 = vector.broadcast %broadcast_in_dim3A_98 : f32 to vector<1x8xf32>
      %swap3A_100 = arith.constant 0 : index
      %swap3A_101 = arith.constant 0 : index
      %swap3A_102 = vector.load %arg7[%swap3A_100, %swap3A_101] : memref<1x8xf32, #tpu.memory_space<vmem>>, vector<1x8xf32>
      tpu.vector_store %arg7[%swap3A_100, %swap3A_101], %broadcast_in_dim3A_99 {strides = array<i32>} : memref<1x8xf32, #tpu.memory_space<vmem>>, vector<1x8xf32>,
    } else {
    }
    %eq3A_32 = arith.constant 1 : i32
    %eq3A_33 = arith.cmpi eq, %arg0, %eq3A_32 : i32
    %convert_element_type3A_34 = arith.extui %eq3A_33 : i1 to i32
    %cond3A_35 = arith.constant 0 : i32
    %cond3A_36 = arith.cmpi ne, %convert_element_type3A_34, %cond3A_35 : i32
    scf.if %cond3A_36 {
      %iota3A_53 = tpu.iota {dimensions = array<i32: 0>} : vector<256x256xi32>
      %iota3A_54 = tpu.iota {dimensions = array<i32: 1>} : vector<256x256xi32>
      %lt3A = arith.cmpi slt, %iota3A_54, %iota3A_53 : vector<256x256xi32>
      %convert_element_type3A_55 = arith.extui %lt3A : vector<256x256xi1> to vector<256x256xi32>
      %convert_element_type3A_56 = arith.sitofp %convert_element_type3A_55 : vector<256x256xi32> to vector<256x256xf32>
      %dot_general3A = arith.constant dense<0.000000e+00> : vector<256x8xf32>
      %dot_general3A_57 = tpu.matmul %convert_element_type3A_56, %convert_element_type3A_21, %dot_general3A {dimension_numbers = #tpu.dot_dimension_numbers<[1], [0], [0], [1], [0, 0, 1, 1], [], []>, transpose_lhs_hint = false} : vector<256x256xf32>, vector<256x8xf32>, vector<256x8xf32> -> vector<256x8xf32>
      %mul3A_58 = arith.mulf %dot_general3A_57, %convert_element_type3A_21 : vector<256x8xf32>
      %reduce_sum3A_59 = arith.constant dense<0.000000e+00> : vector<256xf32>
      %reduce_sum3A_60 = vector.multi_reduction <add>, %mul3A_58, %reduce_sum3A_59 [1] : vector<256x8xf32> to vector<256xf32>
      %broadcast_in_dim3A_61 = vector.shape_cast %reduce_sum3A_60 : vector<256xf32> to vector<256x1xf32>
      %get3A_62 = arith.constant 0 : index
      %get3A_63 = arith.constant 0 : index
      %get3A_64 = vector.load %arg7[%get3A_62, %get3A_63] : memref<1x8xf32, #tpu.memory_space<vmem>>, vector<1x8xf32>
      %mul3A_65 = vector.broadcast %get3A_64 : vector<1x8xf32> to vector<256x8xf32>
      %mul3A_66 = arith.mulf %mul3A_65, %convert_element_type3A_21 : vector<256x8xf32>
      %reduce_sum3A_67 = arith.constant dense<0.000000e+00> : vector<256xf32>
      %reduce_sum3A_68 = vector.multi_reduction <add>, %mul3A_66, %reduce_sum3A_67 [1] : vector<256x8xf32> to vector<256xf32>
      %broadcast_in_dim3A_69 = vector.shape_cast %reduce_sum3A_68 : vector<256xf32> to vector<256x1xf32>
      %get3A_70 = arith.constant 0 : index
      %get3A_71 = arith.constant 0 : index
      %get3A_72 = vector.load %arg8[%get3A_70, %get3A_71] : memref<1x8xf32, #tpu.memory_space<vmem>>, vector<1x8xf32>
      %mul3A_73 = vector.broadcast %get3A_72 : vector<1x8xf32> to vector<256x8xf32>
      %mul3A_74 = arith.mulf %mul3A_73, %convert_element_type3A_21 : vector<256x8xf32>
      %reduce_sum3A_75 = arith.constant dense<0.000000e+00> : vector<256xf32>
      %reduce_sum3A_76 = vector.multi_reduction <add>, %mul3A_74, %reduce_sum3A_75 [1] : vector<256x8xf32> to vector<256xf32>
      %broadcast_in_dim3A_77 = vector.shape_cast %reduce_sum3A_76 : vector<256xf32> to vector<256x1xf32>
      %add3A_78 = arith.addf %broadcast_in_dim3A_77, %broadcast_in_dim3A_69 : vector<256x1xf32>
      %add3A_79 = arith.addf %add3A_78, %broadcast_in_dim3A_61 : vector<256x1xf32>
      %broadcast_in_dim3A_80 = vector.shape_cast %add3A_79 : vector<256x1xf32> to vector<256x1xf32>
      %broadcast_in_dim3A_81 = vector.broadcast %broadcast_in_dim3A_80 : vector<256x1xf32> to vector<256x128xf32>
      %convert_element_type3A_82 = arith.fptosi %broadcast_in_dim3A_81 : vector<256x128xf32> to vector<256x128xi32>
      %swap3A_83 = arith.constant 0 : index
      %swap3A_84 = arith.constant 0 : index
      %swap3A_85 = vector.load %arg5[%swap3A_83, %swap3A_84] : memref<256x128xi32, #tpu.memory_space<vmem>>, vector<256x128xi32>
      tpu.vector_store %arg5[%swap3A_83, %swap3A_84], %convert_element_type3A_82 {strides = array<i32>} : memref<256x128xi32, #tpu.memory_space<vmem>>, vector<256x128xi32>,
    } else {
    }
    %get3A_37 = arith.constant 0 : index
    %get3A_38 = arith.constant 0 : index
    %get3A_39 = vector.load %arg7[%get3A_37, %get3A_38] : memref<1x8xf32, #tpu.memory_space<vmem>>, vector<1x8xf32>
    %reduce_sum3A = arith.constant dense<0.000000e+00> : vector<8xf32>
    %reduce_sum3A_40 = vector.multi_reduction <add>, %convert_element_type3A_21, %reduce_sum3A [0] : vector<256x8xf32> to vector<8xf32>
    %broadcast_in_dim3A_41 = vector.shape_cast %reduce_sum3A_40 : vector<8xf32> to vector<1x8xf32>
    %add3A = arith.addf %get3A_39, %broadcast_in_dim3A_41 : vector<1x8xf32>
    %swap3A_42 = arith.constant 0 : index
    %swap3A_43 = arith.constant 0 : index
    %swap3A_44 = vector.load %arg7[%swap3A_42, %swap3A_43] : memref<1x8xf32, #tpu.memory_space<vmem>>, vector<1x8xf32>
    tpu.vector_store %arg7[%swap3A_42, %swap3A_43], %add3A {strides = array<i32>} : memref<1x8xf32, #tpu.memory_space<vmem>>, vector<1x8xf32>,
    %get3A_45 = arith.constant 0 : index
    %get3A_46 = arith.constant 0 : index
    %get3A_47 = vector.load %arg7[%get3A_45, %get3A_46] : memref<1x8xf32, #tpu.memory_space<vmem>>, vector<1x8xf32>
    %broadcast_in_dim3A_48 = vector.shape_cast %get3A_47 : vector<1x8xf32> to vector<1x8xf32>
    %broadcast_in_dim3A_49 = vector.broadcast %broadcast_in_dim3A_48 : vector<1x8xf32> to vector<256x8xf32>
    %swap3A_50 = arith.constant 0 : index
    %swap3A_51 = arith.constant 0 : index
    %swap3A_52 = vector.load %arg6[%swap3A_50, %swap3A_51] : memref<256x8xf32, #tpu.memory_space<vmem>>, vector<256x8xf32>
    tpu.vector_store %arg6[%swap3A_50, %swap3A_51], %broadcast_in_dim3A_49 {strides = array<i32>} : memref<256x8xf32, #tpu.memory_space<vmem>>, vector<256x8xf32>,
    return
  }
  func.func @transform_0(%arg0: i32, %arg1: i32) -> (i32, i32) {
    %sub3A = arith.constant 1 : i32
    %sub3A_0 = arith.subi %sub3A, %arg0 : i32
    %mul3A = arith.muli %sub3A_0, %arg1 : i32
    %c0_i32 = arith.constant 0 : i32
    %c0_i32_1 = arith.constant 0 : i32
    return %mul3A, %c0_i32 : i32, i32
  }
  func.func @transform_1(%arg0: i32, %arg1: i32) -> (i32, i32) {
    %c0_i32 = arith.constant 0 : i32
    %c0_i32_0 = arith.constant 0 : i32
    %c0_i32_1 = arith.constant 0 : i32
    return %c0_i32, %c0_i32_0 : i32, i32
  }
  func.func @transform_2(%arg0: i32, %arg1: i32) -> (i32, i32) {
    %c0_i32 = arith.constant 0 : i32
    %c0_i32_0 = arith.constant 0 : i32
    return %arg1, %c0_i32 : i32, i32
  }
  func.func @transform_3(%arg0: i32, %arg1: i32) -> (i32, i32) {
    %c0_i32 = arith.constant 0 : i32
    %c0_i32_0 = arith.constant 0 : i32
    return %arg1, %c0_i32 : i32, i32
  }
  func.func @transform_4(%arg0: i32, %arg1: i32) -> (i32, i32) {
    %c0_i32 = arith.constant 0 : i32
    %c0_i32_0 = arith.constant 0 : i32
    return %arg1, %c0_i32 : i32, i32
  }
}

module attributes {stable_mosaic.version = 14 : i64} {
  func.func @_ffn_body(%arg0: i32, %arg1: i32, %arg2: memref<11xi32, #tpu.memory_space<smem>>, %arg3: memref<11xi32, #tpu.memory_space<smem>>, %arg4: memref<11xi32, #tpu.memory_space<smem>>, %arg5: memref<512x2048xf32, #tpu.memory_space<vmem>>, %arg6: memref<1x1x256x2048xf32, #tpu.memory_space<vmem>>, %arg7: memref<1x1x256x2048xf32, #tpu.memory_space<vmem>>, %arg8: memref<1x1x256x2048xf32, #tpu.memory_space<vmem>>, %arg9: memref<1x1x256x2048xf32, #tpu.memory_space<vmem>>, %arg10: memref<1x1024x512xf32, #tpu.memory_space<vmem>>, %arg11: memref<1x1024x512xf32, #tpu.memory_space<vmem>>, %arg12: memref<512x2048xf32, #tpu.memory_space<vmem>>) attributes {dimension_semantics = [#tpu.dimension_semantics<parallel>, #tpu.dimension_semantics<arbitrary>], iteration_bounds = array<i64: 11, 8>, scalar_prefetch = 3 : i64, scratch_operands = 0 : i64, tpu.core_type = #tpu.core_type<tc>, window_params = [{transform_indices = @transform_0, window_bounds = array<i64: 512, 2048>}, {transform_indices = @transform_1, window_bounds = array<i64: 1, 1, 256, 2048>}, {transform_indices = @transform_2, window_bounds = array<i64: 1, 1, 256, 2048>}, {transform_indices = @transform_3, window_bounds = array<i64: 1, 1, 256, 2048>}, {transform_indices = @transform_4, window_bounds = array<i64: 1, 1, 256, 2048>}, {transform_indices = @transform_5, window_bounds = array<i64: 1, 1024, 512>}, {transform_indices = @transform_6, window_bounds = array<i64: 1, 1024, 512>}, {transform_indices = @transform_7, window_bounds = array<i64: 512, 2048>}]} {
    %get3A = arith.index_cast %arg0 : i32 to index
    %get3A_0 = memref.load %arg3[%get3A] : memref<11xi32, #tpu.memory_space<smem>>
    %gt3A = arith.constant 0 : i32
    %gt3A_1 = arith.cmpi sgt, %get3A_0, %gt3A : i32
    %convert_element_type3A = arith.extui %gt3A_1 : i1 to i32
    %cond3A = arith.constant 0 : i32
    %cond3A_2 = arith.cmpi ne, %convert_element_type3A, %cond3A : i32
    scf.if %cond3A_2 {
      %get3A_10 = arith.constant 0 : index
      %get3A_11 = arith.constant 0 : index
      %get3A_12 = vector.load %arg5[%get3A_10, %get3A_11] : memref<512x2048xf32, #tpu.memory_space<vmem>>, vector<256x2048xf32>
      %get3A_13 = arith.constant 0 : index
      %get3A_14 = arith.constant 0 : index
      %get3A_15 = arith.constant 0 : index
      %get3A_16 = arith.constant 0 : index
      %get3A_17 = vector.load %arg6[%get3A_13, %get3A_14, %get3A_15, %get3A_16] : memref<1x1x256x2048xf32, #tpu.memory_space<vmem>>, vector<1x1x256x2048xf32>
      %get3A_18 = vector.shape_cast %get3A_17 : vector<1x1x256x2048xf32> to vector<256x2048xf32>
      %dot_general3A = arith.constant dense<0.000000e+00> : vector<256x256xf32>
      %dot_general3A_19 = tpu.matmul %get3A_12, %get3A_18, %dot_general3A {dimension_numbers = #tpu.dot_dimension_numbers<[1], [1], [0], [0], [0, 0, 1, 0], [], []>, transpose_lhs_hint = false} : vector<256x2048xf32>, vector<256x2048xf32>, vector<256x256xf32> -> vector<256x256xf32>
      %get3A_20 = arith.constant 0 : index
      %get3A_21 = arith.constant 0 : index
      %get3A_22 = arith.constant 0 : index
      %get3A_23 = arith.constant 0 : index
      %get3A_24 = vector.load %arg8[%get3A_20, %get3A_21, %get3A_22, %get3A_23] : memref<1x1x256x2048xf32, #tpu.memory_space<vmem>>, vector<1x1x256x2048xf32>
      %get3A_25 = vector.shape_cast %get3A_24 : vector<1x1x256x2048xf32> to vector<256x2048xf32>
      %dot_general3A_26 = arith.constant dense<0.000000e+00> : vector<256x256xf32>
      %dot_general3A_27 = tpu.matmul %get3A_12, %get3A_25, %dot_general3A_26 {dimension_numbers = #tpu.dot_dimension_numbers<[1], [1], [0], [0], [0, 0, 1, 0], [], []>, transpose_lhs_hint = false} : vector<256x2048xf32>, vector<256x2048xf32>, vector<256x256xf32> -> vector<256x256xf32>
      %logistic3A = arith.negf %dot_general3A_19 : vector<256x256xf32>
      %logistic3A_28 = math.exp %logistic3A : vector<256x256xf32>
      %logistic3A_29 = arith.constant 1.000000e+00 : f32
      %logistic3A_30 = vector.broadcast %logistic3A_29 : f32 to vector<256x256xf32>
      %logistic3A_31 = arith.addf %logistic3A_30, %logistic3A_28 : vector<256x256xf32>
      %logistic3A_32 = arith.divf %logistic3A_30, %logistic3A_31 : vector<256x256xf32>
      %mul3A = arith.mulf %dot_general3A_19, %logistic3A_32 : vector<256x256xf32>
      %mul3A_33 = arith.mulf %mul3A, %dot_general3A_27 : vector<256x256xf32>
      %get3A_34 = arith.constant 0 : index
      %get3A_35 = arith.constant 0 : index
      %get3A_36 = arith.constant 0 : index
      %get3A_37 = arith.constant 0 : index
      %get3A_38 = vector.load %arg7[%get3A_34, %get3A_35, %get3A_36, %get3A_37] : memref<1x1x256x2048xf32, #tpu.memory_space<vmem>>, vector<1x1x256x2048xf32>
      %get3A_39 = vector.shape_cast %get3A_38 : vector<1x1x256x2048xf32> to vector<256x2048xf32>
      %dot_general3A_40 = arith.constant dense<0.000000e+00> : vector<256x256xf32>
      %dot_general3A_41 = tpu.matmul %get3A_12, %get3A_39, %dot_general3A_40 {dimension_numbers = #tpu.dot_dimension_numbers<[1], [1], [0], [0], [0, 0, 1, 0], [], []>, transpose_lhs_hint = false} : vector<256x2048xf32>, vector<256x2048xf32>, vector<256x256xf32> -> vector<256x256xf32>
      %get3A_42 = arith.constant 0 : index
      %get3A_43 = arith.constant 0 : index
      %get3A_44 = arith.constant 0 : index
      %get3A_45 = arith.constant 0 : index
      %get3A_46 = vector.load %arg9[%get3A_42, %get3A_43, %get3A_44, %get3A_45] : memref<1x1x256x2048xf32, #tpu.memory_space<vmem>>, vector<1x1x256x2048xf32>
      %get3A_47 = vector.shape_cast %get3A_46 : vector<1x1x256x2048xf32> to vector<256x2048xf32>
      %dot_general3A_48 = arith.constant dense<0.000000e+00> : vector<256x256xf32>
      %dot_general3A_49 = tpu.matmul %get3A_12, %get3A_47, %dot_general3A_48 {dimension_numbers = #tpu.dot_dimension_numbers<[1], [1], [0], [0], [0, 0, 1, 0], [], []>, transpose_lhs_hint = false} : vector<256x2048xf32>, vector<256x2048xf32>, vector<256x256xf32> -> vector<256x256xf32>
      %logistic3A_50 = arith.negf %dot_general3A_41 : vector<256x256xf32>
      %logistic3A_51 = math.exp %logistic3A_50 : vector<256x256xf32>
      %logistic3A_52 = arith.constant 1.000000e+00 : f32
      %logistic3A_53 = vector.broadcast %logistic3A_52 : f32 to vector<256x256xf32>
      %logistic3A_54 = arith.addf %logistic3A_53, %logistic3A_51 : vector<256x256xf32>
      %logistic3A_55 = arith.divf %logistic3A_53, %logistic3A_54 : vector<256x256xf32>
      %mul3A_56 = arith.mulf %dot_general3A_41, %logistic3A_55 : vector<256x256xf32>
      %mul3A_57 = arith.mulf %mul3A_56, %dot_general3A_49 : vector<256x256xf32>
      %concatenate3A = tpu.concatenate %mul3A_33, %mul3A_57 in 1 : vector<256x256xf32>, vector<256x256xf32> -> vector<256x512xf32>
      %get3A_58 = arith.constant 0 : index
      %get3A_59 = arith.constant 0 : index
      %get3A_60 = arith.constant 0 : index
      %get3A_61 = vector.load %arg10[%get3A_58, %get3A_59, %get3A_60] : memref<1x1024x512xf32, #tpu.memory_space<vmem>>, vector<1x1024x512xf32>
      %get3A_62 = vector.shape_cast %get3A_61 : vector<1x1024x512xf32> to vector<1024x512xf32>
      %dot_general3A_63 = arith.constant dense<0.000000e+00> : vector<256x1024xf32>
      %dot_general3A_64 = tpu.matmul %concatenate3A, %get3A_62, %dot_general3A_63 {dimension_numbers = #tpu.dot_dimension_numbers<[1], [1], [0], [0], [0, 0, 1, 0], [], []>, transpose_lhs_hint = false} : vector<256x512xf32>, vector<1024x512xf32>, vector<256x1024xf32> -> vector<256x1024xf32>
      %get3A_65 = arith.constant 0 : index
      %get3A_66 = arith.constant 0 : index
      %get3A_67 = arith.constant 0 : index
      %get3A_68 = vector.load %arg11[%get3A_65, %get3A_66, %get3A_67] : memref<1x1024x512xf32, #tpu.memory_space<vmem>>, vector<1x1024x512xf32>
      %get3A_69 = vector.shape_cast %get3A_68 : vector<1x1024x512xf32> to vector<1024x512xf32>
      %dot_general3A_70 = arith.constant dense<0.000000e+00> : vector<256x1024xf32>
      %dot_general3A_71 = tpu.matmul %concatenate3A, %get3A_69, %dot_general3A_70 {dimension_numbers = #tpu.dot_dimension_numbers<[1], [1], [0], [0], [0, 0, 1, 0], [], []>, transpose_lhs_hint = false} : vector<256x512xf32>, vector<1024x512xf32>, vector<256x1024xf32> -> vector<256x1024xf32>
      %eq3A = arith.constant 0 : i32
      %eq3A_72 = arith.cmpi eq, %arg1, %eq3A : i32
      %convert_element_type3A_73 = arith.extui %eq3A_72 : i1 to i32
      %cond3A_74 = arith.constant 0 : i32
      %cond3A_75 = arith.cmpi ne, %convert_element_type3A_73, %cond3A_74 : i32
      scf.if %cond3A_75 {
        %swap3A = arith.constant 0 : index
        %swap3A_81 = arith.constant 0 : index
        %swap3A_82 = vector.load %arg12[%swap3A, %swap3A_81] : memref<512x2048xf32, #tpu.memory_space<vmem>>, vector<256x1024xf32>
        tpu.vector_store %arg12[%swap3A, %swap3A_81], %dot_general3A_64 {strides = array<i32>} : memref<512x2048xf32, #tpu.memory_space<vmem>>, vector<256x1024xf32>,
        %swap3A_83 = arith.constant 0 : index
        %swap3A_84 = arith.constant 1024 : index
        %swap3A_85 = vector.load %arg12[%swap3A_83, %swap3A_84] : memref<512x2048xf32, #tpu.memory_space<vmem>>, vector<256x1024xf32>
        tpu.vector_store %arg12[%swap3A_83, %swap3A_84], %dot_general3A_71 {strides = array<i32>} : memref<512x2048xf32, #tpu.memory_space<vmem>>, vector<256x1024xf32>,
      } else {
      }
      %gt3A_76 = arith.constant 0 : i32
      %gt3A_77 = arith.cmpi sgt, %arg1, %gt3A_76 : i32
      %convert_element_type3A_78 = arith.extui %gt3A_77 : i1 to i32
      %cond3A_79 = arith.constant 0 : i32
      %cond3A_80 = arith.cmpi ne, %convert_element_type3A_78, %cond3A_79 : i32
      scf.if %cond3A_80 {
        %get3A_81 = arith.constant 0 : index
        %get3A_82 = arith.constant 0 : index
        %get3A_83 = vector.load %arg12[%get3A_81, %get3A_82] : memref<512x2048xf32, #tpu.memory_space<vmem>>, vector<256x1024xf32>
        %add3A = arith.addf %get3A_83, %dot_general3A_64 : vector<256x1024xf32>
        %swap3A = arith.constant 0 : index
        %swap3A_84 = arith.constant 0 : index
        %swap3A_85 = vector.load %arg12[%swap3A, %swap3A_84] : memref<512x2048xf32, #tpu.memory_space<vmem>>, vector<256x1024xf32>
        tpu.vector_store %arg12[%swap3A, %swap3A_84], %add3A {strides = array<i32>} : memref<512x2048xf32, #tpu.memory_space<vmem>>, vector<256x1024xf32>,
        %get3A_86 = arith.constant 0 : index
        %get3A_87 = arith.constant 1024 : index
        %get3A_88 = vector.load %arg12[%get3A_86, %get3A_87] : memref<512x2048xf32, #tpu.memory_space<vmem>>, vector<256x1024xf32>
        %add3A_89 = arith.addf %get3A_88, %dot_general3A_71 : vector<256x1024xf32>
        %swap3A_90 = arith.constant 0 : index
        %swap3A_91 = arith.constant 1024 : index
        %swap3A_92 = vector.load %arg12[%swap3A_90, %swap3A_91] : memref<512x2048xf32, #tpu.memory_space<vmem>>, vector<256x1024xf32>
        tpu.vector_store %arg12[%swap3A_90, %swap3A_91], %add3A_89 {strides = array<i32>} : memref<512x2048xf32, #tpu.memory_space<vmem>>, vector<256x1024xf32>,
      } else {
      }
    } else {
    }
    %get3A_3 = arith.index_cast %arg0 : i32 to index
    %get3A_4 = memref.load %arg3[%get3A_3] : memref<11xi32, #tpu.memory_space<smem>>
    %gt3A_5 = arith.constant 256 : i32
    %gt3A_6 = arith.cmpi sgt, %get3A_4, %gt3A_5 : i32
    %convert_element_type3A_7 = arith.extui %gt3A_6 : i1 to i32
    %cond3A_8 = arith.constant 0 : i32
    %cond3A_9 = arith.cmpi ne, %convert_element_type3A_7, %cond3A_8 : i32
    scf.if %cond3A_9 {
      %get3A_10 = arith.constant 256 : index
      %get3A_11 = arith.constant 0 : index
      %get3A_12 = vector.load %arg5[%get3A_10, %get3A_11] : memref<512x2048xf32, #tpu.memory_space<vmem>>, vector<256x2048xf32>
      %get3A_13 = arith.constant 0 : index
      %get3A_14 = arith.constant 0 : index
      %get3A_15 = arith.constant 0 : index
      %get3A_16 = arith.constant 0 : index
      %get3A_17 = vector.load %arg6[%get3A_13, %get3A_14, %get3A_15, %get3A_16] : memref<1x1x256x2048xf32, #tpu.memory_space<vmem>>, vector<1x1x256x2048xf32>
      %get3A_18 = vector.shape_cast %get3A_17 : vector<1x1x256x2048xf32> to vector<256x2048xf32>
      %dot_general3A = arith.constant dense<0.000000e+00> : vector<256x256xf32>
      %dot_general3A_19 = tpu.matmul %get3A_12, %get3A_18, %dot_general3A {dimension_numbers = #tpu.dot_dimension_numbers<[1], [1], [0], [0], [0, 0, 1, 0], [], []>, transpose_lhs_hint = false} : vector<256x2048xf32>, vector<256x2048xf32>, vector<256x256xf32> -> vector<256x256xf32>
      %get3A_20 = arith.constant 0 : index
      %get3A_21 = arith.constant 0 : index
      %get3A_22 = arith.constant 0 : index
      %get3A_23 = arith.constant 0 : index
      %get3A_24 = vector.load %arg8[%get3A_20, %get3A_21, %get3A_22, %get3A_23] : memref<1x1x256x2048xf32, #tpu.memory_space<vmem>>, vector<1x1x256x2048xf32>
      %get3A_25 = vector.shape_cast %get3A_24 : vector<1x1x256x2048xf32> to vector<256x2048xf32>
      %dot_general3A_26 = arith.constant dense<0.000000e+00> : vector<256x256xf32>
      %dot_general3A_27 = tpu.matmul %get3A_12, %get3A_25, %dot_general3A_26 {dimension_numbers = #tpu.dot_dimension_numbers<[1], [1], [0], [0], [0, 0, 1, 0], [], []>, transpose_lhs_hint = false} : vector<256x2048xf32>, vector<256x2048xf32>, vector<256x256xf32> -> vector<256x256xf32>
      %logistic3A = arith.negf %dot_general3A_19 : vector<256x256xf32>
      %logistic3A_28 = math.exp %logistic3A : vector<256x256xf32>
      %logistic3A_29 = arith.constant 1.000000e+00 : f32
      %logistic3A_30 = vector.broadcast %logistic3A_29 : f32 to vector<256x256xf32>
      %logistic3A_31 = arith.addf %logistic3A_30, %logistic3A_28 : vector<256x256xf32>
      %logistic3A_32 = arith.divf %logistic3A_30, %logistic3A_31 : vector<256x256xf32>
      %mul3A = arith.mulf %dot_general3A_19, %logistic3A_32 : vector<256x256xf32>
      %mul3A_33 = arith.mulf %mul3A, %dot_general3A_27 : vector<256x256xf32>
      %get3A_34 = arith.constant 0 : index
      %get3A_35 = arith.constant 0 : index
      %get3A_36 = arith.constant 0 : index
      %get3A_37 = arith.constant 0 : index
      %get3A_38 = vector.load %arg7[%get3A_34, %get3A_35, %get3A_36, %get3A_37] : memref<1x1x256x2048xf32, #tpu.memory_space<vmem>>, vector<1x1x256x2048xf32>
      %get3A_39 = vector.shape_cast %get3A_38 : vector<1x1x256x2048xf32> to vector<256x2048xf32>
      %dot_general3A_40 = arith.constant dense<0.000000e+00> : vector<256x256xf32>
      %dot_general3A_41 = tpu.matmul %get3A_12, %get3A_39, %dot_general3A_40 {dimension_numbers = #tpu.dot_dimension_numbers<[1], [1], [0], [0], [0, 0, 1, 0], [], []>, transpose_lhs_hint = false} : vector<256x2048xf32>, vector<256x2048xf32>, vector<256x256xf32> -> vector<256x256xf32>
      %get3A_42 = arith.constant 0 : index
      %get3A_43 = arith.constant 0 : index
      %get3A_44 = arith.constant 0 : index
      %get3A_45 = arith.constant 0 : index
      %get3A_46 = vector.load %arg9[%get3A_42, %get3A_43, %get3A_44, %get3A_45] : memref<1x1x256x2048xf32, #tpu.memory_space<vmem>>, vector<1x1x256x2048xf32>
      %get3A_47 = vector.shape_cast %get3A_46 : vector<1x1x256x2048xf32> to vector<256x2048xf32>
      %dot_general3A_48 = arith.constant dense<0.000000e+00> : vector<256x256xf32>
      %dot_general3A_49 = tpu.matmul %get3A_12, %get3A_47, %dot_general3A_48 {dimension_numbers = #tpu.dot_dimension_numbers<[1], [1], [0], [0], [0, 0, 1, 0], [], []>, transpose_lhs_hint = false} : vector<256x2048xf32>, vector<256x2048xf32>, vector<256x256xf32> -> vector<256x256xf32>
      %logistic3A_50 = arith.negf %dot_general3A_41 : vector<256x256xf32>
      %logistic3A_51 = math.exp %logistic3A_50 : vector<256x256xf32>
      %logistic3A_52 = arith.constant 1.000000e+00 : f32
      %logistic3A_53 = vector.broadcast %logistic3A_52 : f32 to vector<256x256xf32>
      %logistic3A_54 = arith.addf %logistic3A_53, %logistic3A_51 : vector<256x256xf32>
      %logistic3A_55 = arith.divf %logistic3A_53, %logistic3A_54 : vector<256x256xf32>
      %mul3A_56 = arith.mulf %dot_general3A_41, %logistic3A_55 : vector<256x256xf32>
      %mul3A_57 = arith.mulf %mul3A_56, %dot_general3A_49 : vector<256x256xf32>
      %concatenate3A = tpu.concatenate %mul3A_33, %mul3A_57 in 1 : vector<256x256xf32>, vector<256x256xf32> -> vector<256x512xf32>
      %get3A_58 = arith.constant 0 : index
      %get3A_59 = arith.constant 0 : index
      %get3A_60 = arith.constant 0 : index
      %get3A_61 = vector.load %arg10[%get3A_58, %get3A_59, %get3A_60] : memref<1x1024x512xf32, #tpu.memory_space<vmem>>, vector<1x1024x512xf32>
      %get3A_62 = vector.shape_cast %get3A_61 : vector<1x1024x512xf32> to vector<1024x512xf32>
      %dot_general3A_63 = arith.constant dense<0.000000e+00> : vector<256x1024xf32>
      %dot_general3A_64 = tpu.matmul %concatenate3A, %get3A_62, %dot_general3A_63 {dimension_numbers = #tpu.dot_dimension_numbers<[1], [1], [0], [0], [0, 0, 1, 0], [], []>, transpose_lhs_hint = false} : vector<256x512xf32>, vector<1024x512xf32>, vector<256x1024xf32> -> vector<256x1024xf32>
      %get3A_65 = arith.constant 0 : index
      %get3A_66 = arith.constant 0 : index
      %get3A_67 = arith.constant 0 : index
      %get3A_68 = vector.load %arg11[%get3A_65, %get3A_66, %get3A_67] : memref<1x1024x512xf32, #tpu.memory_space<vmem>>, vector<1x1024x512xf32>
      %get3A_69 = vector.shape_cast %get3A_68 : vector<1x1024x512xf32> to vector<1024x512xf32>
      %dot_general3A_70 = arith.constant dense<0.000000e+00> : vector<256x1024xf32>
      %dot_general3A_71 = tpu.matmul %concatenate3A, %get3A_69, %dot_general3A_70 {dimension_numbers = #tpu.dot_dimension_numbers<[1], [1], [0], [0], [0, 0, 1, 0], [], []>, transpose_lhs_hint = false} : vector<256x512xf32>, vector<1024x512xf32>, vector<256x1024xf32> -> vector<256x1024xf32>
      %eq3A = arith.constant 0 : i32
      %eq3A_72 = arith.cmpi eq, %arg1, %eq3A : i32
      %convert_element_type3A_73 = arith.extui %eq3A_72 : i1 to i32
      %cond3A_74 = arith.constant 0 : i32
      %cond3A_75 = arith.cmpi ne, %convert_element_type3A_73, %cond3A_74 : i32
      scf.if %cond3A_75 {
        %swap3A = arith.constant 256 : index
        %swap3A_81 = arith.constant 0 : index
        %swap3A_82 = vector.load %arg12[%swap3A, %swap3A_81] : memref<512x2048xf32, #tpu.memory_space<vmem>>, vector<256x1024xf32>
        tpu.vector_store %arg12[%swap3A, %swap3A_81], %dot_general3A_64 {strides = array<i32>} : memref<512x2048xf32, #tpu.memory_space<vmem>>, vector<256x1024xf32>,
        %swap3A_83 = arith.constant 256 : index
        %swap3A_84 = arith.constant 1024 : index
        %swap3A_85 = vector.load %arg12[%swap3A_83, %swap3A_84] : memref<512x2048xf32, #tpu.memory_space<vmem>>, vector<256x1024xf32>
        tpu.vector_store %arg12[%swap3A_83, %swap3A_84], %dot_general3A_71 {strides = array<i32>} : memref<512x2048xf32, #tpu.memory_space<vmem>>, vector<256x1024xf32>,
      } else {
      }
      %gt3A_76 = arith.constant 0 : i32
      %gt3A_77 = arith.cmpi sgt, %arg1, %gt3A_76 : i32
      %convert_element_type3A_78 = arith.extui %gt3A_77 : i1 to i32
      %cond3A_79 = arith.constant 0 : i32
      %cond3A_80 = arith.cmpi ne, %convert_element_type3A_78, %cond3A_79 : i32
      scf.if %cond3A_80 {
        %get3A_81 = arith.constant 256 : index
        %get3A_82 = arith.constant 0 : index
        %get3A_83 = vector.load %arg12[%get3A_81, %get3A_82] : memref<512x2048xf32, #tpu.memory_space<vmem>>, vector<256x1024xf32>
        %add3A = arith.addf %get3A_83, %dot_general3A_64 : vector<256x1024xf32>
        %swap3A = arith.constant 256 : index
        %swap3A_84 = arith.constant 0 : index
        %swap3A_85 = vector.load %arg12[%swap3A, %swap3A_84] : memref<512x2048xf32, #tpu.memory_space<vmem>>, vector<256x1024xf32>
        tpu.vector_store %arg12[%swap3A, %swap3A_84], %add3A {strides = array<i32>} : memref<512x2048xf32, #tpu.memory_space<vmem>>, vector<256x1024xf32>,
        %get3A_86 = arith.constant 256 : index
        %get3A_87 = arith.constant 1024 : index
        %get3A_88 = vector.load %arg12[%get3A_86, %get3A_87] : memref<512x2048xf32, #tpu.memory_space<vmem>>, vector<256x1024xf32>
        %add3A_89 = arith.addf %get3A_88, %dot_general3A_71 : vector<256x1024xf32>
        %swap3A_90 = arith.constant 256 : index
        %swap3A_91 = arith.constant 1024 : index
        %swap3A_92 = vector.load %arg12[%swap3A_90, %swap3A_91] : memref<512x2048xf32, #tpu.memory_space<vmem>>, vector<256x1024xf32>
        tpu.vector_store %arg12[%swap3A_90, %swap3A_91], %add3A_89 {strides = array<i32>} : memref<512x2048xf32, #tpu.memory_space<vmem>>, vector<256x1024xf32>,
      } else {
      }
    } else {
    }
    return
  }
  func.func @transform_0(%arg0: i32, %arg1: i32, %arg2: memref<11xi32, #tpu.memory_space<smem>>, %arg3: memref<11xi32, #tpu.memory_space<smem>>, %arg4: memref<11xi32, #tpu.memory_space<smem>>) -> (i32, i32) {
    %get3A = arith.index_cast %arg0 : i32 to index
    %get3A_0 = memref.load %arg4[%get3A] : memref<11xi32, #tpu.memory_space<smem>>
    %c0_i32 = arith.constant 0 : i32
    %c0_i32_1 = arith.constant 0 : i32
    return %get3A_0, %c0_i32 : i32, i32
  }
  func.func @transform_1(%arg0: i32, %arg1: i32, %arg2: memref<11xi32, #tpu.memory_space<smem>>, %arg3: memref<11xi32, #tpu.memory_space<smem>>, %arg4: memref<11xi32, #tpu.memory_space<smem>>) -> (i32, i32, i32, i32) {
    %get3A = arith.index_cast %arg0 : i32 to index
    %get3A_0 = memref.load %arg2[%get3A] : memref<11xi32, #tpu.memory_space<smem>>
    %mul3A = arith.constant 2 : i32
    %mul3A_1 = arith.muli %mul3A, %arg1 : i32
    %c0_i32 = arith.constant 0 : i32
    %c0_i32_2 = arith.constant 0 : i32
    %c0_i32_3 = arith.constant 0 : i32
    return %get3A_0, %mul3A_1, %c0_i32, %c0_i32_2 : i32, i32, i32, i32
  }
  func.func @transform_2(%arg0: i32, %arg1: i32, %arg2: memref<11xi32, #tpu.memory_space<smem>>, %arg3: memref<11xi32, #tpu.memory_space<smem>>, %arg4: memref<11xi32, #tpu.memory_space<smem>>) -> (i32, i32, i32, i32) {
    %get3A = arith.index_cast %arg0 : i32 to index
    %get3A_0 = memref.load %arg2[%get3A] : memref<11xi32, #tpu.memory_space<smem>>
    %mul3A = arith.constant 2 : i32
    %mul3A_1 = arith.muli %mul3A, %arg1 : i32
    %add3A = arith.constant 1 : i32
    %add3A_2 = arith.addi %mul3A_1, %add3A : i32
    %c0_i32 = arith.constant 0 : i32
    %c0_i32_3 = arith.constant 0 : i32
    %c0_i32_4 = arith.constant 0 : i32
    return %get3A_0, %add3A_2, %c0_i32, %c0_i32_3 : i32, i32, i32, i32
  }
  func.func @transform_3(%arg0: i32, %arg1: i32, %arg2: memref<11xi32, #tpu.memory_space<smem>>, %arg3: memref<11xi32, #tpu.memory_space<smem>>, %arg4: memref<11xi32, #tpu.memory_space<smem>>) -> (i32, i32, i32, i32) {
    %get3A = arith.index_cast %arg0 : i32 to index
    %get3A_0 = memref.load %arg2[%get3A] : memref<11xi32, #tpu.memory_space<smem>>
    %mul3A = arith.constant 2 : i32
    %mul3A_1 = arith.muli %mul3A, %arg1 : i32
    %c0_i32 = arith.constant 0 : i32
    %c0_i32_2 = arith.constant 0 : i32
    %c0_i32_3 = arith.constant 0 : i32
    return %get3A_0, %mul3A_1, %c0_i32, %c0_i32_2 : i32, i32, i32, i32
  }
  func.func @transform_4(%arg0: i32, %arg1: i32, %arg2: memref<11xi32, #tpu.memory_space<smem>>, %arg3: memref<11xi32, #tpu.memory_space<smem>>, %arg4: memref<11xi32, #tpu.memory_space<smem>>) -> (i32, i32, i32, i32) {
    %get3A = arith.index_cast %arg0 : i32 to index
    %get3A_0 = memref.load %arg2[%get3A] : memref<11xi32, #tpu.memory_space<smem>>
    %mul3A = arith.constant 2 : i32
    %mul3A_1 = arith.muli %mul3A, %arg1 : i32
    %add3A = arith.constant 1 : i32
    %add3A_2 = arith.addi %mul3A_1, %add3A : i32
    %c0_i32 = arith.constant 0 : i32
    %c0_i32_3 = arith.constant 0 : i32
    %c0_i32_4 = arith.constant 0 : i32
    return %get3A_0, %add3A_2, %c0_i32, %c0_i32_3 : i32, i32, i32, i32
  }
  func.func @transform_5(%arg0: i32, %arg1: i32, %arg2: memref<11xi32, #tpu.memory_space<smem>>, %arg3: memref<11xi32, #tpu.memory_space<smem>>, %arg4: memref<11xi32, #tpu.memory_space<smem>>) -> (i32, i32, i32) {
    %get3A = arith.index_cast %arg0 : i32 to index
    %get3A_0 = memref.load %arg2[%get3A] : memref<11xi32, #tpu.memory_space<smem>>
    %c0_i32 = arith.constant 0 : i32
    %c0_i32_1 = arith.constant 0 : i32
    return %get3A_0, %c0_i32, %arg1 : i32, i32, i32
  }
  func.func @transform_6(%arg0: i32, %arg1: i32, %arg2: memref<11xi32, #tpu.memory_space<smem>>, %arg3: memref<11xi32, #tpu.memory_space<smem>>, %arg4: memref<11xi32, #tpu.memory_space<smem>>) -> (i32, i32, i32) {
    %get3A = arith.index_cast %arg0 : i32 to index
    %get3A_0 = memref.load %arg2[%get3A] : memref<11xi32, #tpu.memory_space<smem>>
    %c1_i32 = arith.constant 1 : i32
    %c0_i32 = arith.constant 0 : i32
    return %get3A_0, %c1_i32, %arg1 : i32, i32, i32
  }
  func.func @transform_7(%arg0: i32, %arg1: i32, %arg2: memref<11xi32, #tpu.memory_space<smem>>, %arg3: memref<11xi32, #tpu.memory_space<smem>>, %arg4: memref<11xi32, #tpu.memory_space<smem>>) -> (i32, i32) {
    %c0_i32 = arith.constant 0 : i32
    %c0_i32_0 = arith.constant 0 : i32
    return %arg0, %c0_i32 : i32, i32
  }
}

</mosaic_0001>

<sc_bundles>
// kernel: kernel.6.cloned.1.call-start
scs
__scs_entry_jumppad:
0x0: {  	(pc) =	sbr.rel $0x88, $3  }
0x1: {  	(tag) =	ssettag $0x0;
	lr =	simm.s32 $0x1  }
0x2: {  	[smem:$0x3F9C] =	sst lr;
	_ =	strace $0xD0000000  }
0x3: {  	_ = 	snop  }
0x4: {  	_ = 	snop  }
0x5: {  	_ = 	snop  }
0x6: {  	_ = 	snop  }
0x7: {  	_ = 	snop  }
__scs_overlays_trampoline_lowered:
0x8: {  	[smem:$0x3FAB] =	sst s0  }
0x9: {  	[smem:$0x3FAC] =	sst s1  }
0xa: {  	[smem:$0x3FAD] =	sst s2  }
0xb: {  	[smem:$0x3FAE] =	sst s3  }
0xc: {  	[smem:$0x3FAF] =	sst s4  }
0xd: {  	[smem:$0x3FB0] =	sst s5  }
0xe: {  	[smem:$0x3FB1] =	sst s6  }
0xf: {  	[smem:$0x3FB2] =	sst s7  }
0x10: {  	[smem:$0x3FB3] =	sst s8  }
0x11: {  	[smem:$0x3FB4] =	sst s9;
	s0 =	simm.s32 @!p0 $0x0  }
0x12: {  	s1 =	sld [smem:$0x3F9A];
	s0 =	simm.s32 @p0 $0x1  }
0x13: {  	[smem:$0x3FB5] =	sst s0;
	s0 =	simm.s32 @!p1 $0x0  }
0x14: {  	s2 =	sld [smem:$0x3F99];
	s0 =	simm.s32 @p1 $0x1  }
0x15: {  	[smem:$0x3FB6] =	sst s0;
	s0 =	simm.s32 @!p2 $0x0  }
0x16: {  	s3 =	sld [smem:$0x3FDB];
	s0 =	simm.s32 @p2 $0x1  }
0x17: {  	s4 =	simm.s32 $0x1BF5;
	[smem:$0x3FB8] =	sst s0  }
0x18: {  	s0 =	sld [smem:$0x3F9B];
	_ =	swait.ge [sflag:s4], $0x0  }
0x19: {  	s7 =	sld [smem:$0x3F9C]  }
0x1a: {  	s8 =	sadd.s32 $0xFFFFE003, lr  }
0x1b: {  	s9 =	sadd.s32 $0xFFFFFEF7, lr;
	s5 =	simm.s32 $0xFFFFFFFF;
	p2 =	slt.u32 s8, $0xFFFFF086  }
0x1c: {  	p1 =	slt.u32 s9, $0xF7A;
	s5 =	simm.s32 @!p2 $0x0  }
0x1d: {  	s5 =	simm.s32 @p1 $0x1;
	p0 =	seq.s32 s7, s2  }
0x1e: {  	s7 =	smul.u32 @!p0 $0xF7A, s2;
	p2 =	seq.s32 @!p0 s5, $0x0  }
0x1f: {  	s9 =	smul.u32 $0xF7A, s1;
	s8 =	simm.s32 @!p0 $0x1BF5;
	p2 =	por !p2, p0  }
0x20: {  	[sflag:s8] =	ssyncset.s32 @!p0 $0xFFFFF086;
	s6 =	sadd.s32 @!p0 s3, s7;
	s7 =	simm.s32 @!p0 $0x108  }
0x21: {  	s3 =	sadd.s32 s3, s9;
	s6 =	sadd.s32 @!p0 $0x88, s6;
	s7 =	simm.s32 @p2 $0x1082  }
0x22: {  	[simem:s7], [sflag:s8] =	dma.local @!p0 [hbm:s6], $0xF7A  }
0x23: {  	s9 =	sor.u32 $0xD0000000, s2;
	s6 =	simm.s32 $0x108;
	_ =	swait.ge @!p0 [sflag:s8], $0x0  }
0x24: {  	s3 =	sadd.s32 $0x88, s3;
	s6 =	simm.s32 @!p1 $0x1082;
	[sflag:s4] =	ssyncset.s32 $0xFFFFF086  }
0x25: {  	[simem:s6], [sflag:s4] =	dma.local [hbm:s3], $0xF7A  }
0x26: {  	[smem:$0x3F9C] =	sst s1;
	(tag) =	ssettag s2;
	_ =	strace s9  }
0x27: {  	s1 =	sld [smem:$0x3FAC]  }
0x28: {  	s2 =	sld [smem:$0x3FAD]  }
0x29: {  	s4 =	sld [smem:$0x3FAF]  }
0x2a: {  	p0 =	seq.s32 s5, $0x0;
	s5 =	sld [smem:$0x3FB0]  }
0x2b: {  	s6 =	sld [smem:$0x3FB1]  }
0x2c: {  	s7 =	sld [smem:$0x3FB2]  }
0x2d: {  	s3 =	simm.s32 $0x108;
	s8 =	sld [smem:$0x3FB3]  }
0x2e: {  	s3 =	simm.s32 @!p0 $0x1082;
	s9 =	sld [smem:$0x3FB4]  }
0x2f: {  	lr =	sadd.s32 s0, s3;
	s0 =	sld [smem:$0x3FAB]  }
0x30: {  	s3 =	sld [smem:$0x3FAE]  }
0x31: {  	[smem:$0x3FB7] =	sst s10  }
0x32: {  	s10 =	sld [smem:$0x3FB5];
	_ =	sdelay $0x3  }
0x33: {  	p0 =	seq.s32 s10, $0x1;
	s10 =	sld [smem:$0x3FB7];
	_ =	sdelay $0x3  }
0x34: {  	[smem:$0x3FB7] =	sst s10  }
0x35: {  	s10 =	sld [smem:$0x3FB6];
	_ =	sdelay $0x3  }
0x36: {  	p1 =	seq.s32 s10, $0x1;
	s10 =	sld [smem:$0x3FB7];
	_ =	sdelay $0x3  }
0x37: {  	[smem:$0x3FB7] =	sst s10  }
0x38: {  	s10 =	sld [smem:$0x3FB8]  }
0x39: {  	_ = 	snop;
	(pc) =	sbr.ind lr, $3  }
0x3a: {  	_ = 	snop  }
0x3b: {  	_ = 	snop  }
0x3c: {  	p2 =	seq.s32 s10, $0x1;
	s10 =	sld [smem:$0x3FB7]  }
0x3d: {  	_ =	shalt  }
0x3e: {  	_ =	shalt  }
0x3f: {  	_ =	shalt  }
0x40: {  	_ =	shalt  }
0x41: {  	_ =	shalt  }
0x42: {  	_ =	shalt  }
0x43: {  	_ =	shalt  }
0x44: {  	_ =	shalt  }
0x45: {  	_ =	shalt  }
0x46: {  	_ =	shalt  }
0x47: {  	_ =	shalt  }
0x48: {  	_ =	shalt  }
0x49: {  	_ =	shalt  }
0x4a: {  	_ =	shalt  }
0x4b: {  	_ =	shalt  }
0x4c: {  	_ =	shalt  }
0x4d: {  	_ =	shalt  }
0x4e: {  	_ =	shalt  }
0x4f: {  	_ =	shalt  }
0x50: {  	_ =	shalt  }
0x51: {  	_ =	shalt  }
0x52: {  	_ =	shalt  }
0x53: {  	_ =	shalt  }
0x54: {  	_ =	shalt  }
0x55: {  	_ =	shalt  }
0x56: {  	_ =	shalt  }
0x57: {  	_ =	shalt  }
0x58: {  	_ =	shalt  }
0x59: {  	_ =	shalt  }
0x5a: {  	_ =	shalt  }
0x5b: {  	_ =	shalt  }
0x5c: {  	_ =	shalt  }
0x5d: {  	_ =	shalt  }
0x5e: {  	_ =	shalt  }
0x5f: {  	_ =	shalt  }
0x60: {  	_ =	shalt  }
0x61: {  	_ =	shalt  }
0x62: {  	_ =	shalt  }
0x63: {  	_ =	shalt  }
0x64: {  	_ =	shalt  }
0x65: {  	_ =	shalt  }
0x66: {  	_ =	shalt  }
0x67: {  	_ =	shalt  }
0x68: {  	_ =	shalt  }
0x69: {  	_ =	shalt  }
0x6a: {  	_ =	shalt  }
0x6b: {  	_ =	shalt  }
0x6c: {  	_ =	shalt  }
0x6d: {  	_ =	shalt  }
0x6e: {  	_ =	shalt  }
0x6f: {  	_ =	shalt  }
0x70: {  	_ =	shalt  }
0x71: {  	_ =	shalt  }
0x72: {  	_ =	shalt  }
0x73: {  	_ =	shalt  }
0x74: {  	_ =	shalt  }
0x75: {  	_ =	shalt  }
0x76: {  	_ =	shalt  }
0x77: {  	_ =	shalt  }
0x78: {  	_ =	shalt  }
0x79: {  	_ =	shalt  }
0x7a: {  	_ =	shalt  }
0x7b: {  	_ =	shalt  }
0x7c: {  	_ =	shalt  }
0x7d: {  	_ =	shalt  }
0x7e: {  	_ =	shalt  }
0x7f: {  	_ =	shalt  }
0x80: {  	_ =	shalt  }
0x81: {  	_ =	shalt  }
0x82: {  	_ =	shalt  }
0x83: {  	_ =	shalt  }
0x84: {  	_ =	shalt  }
0x85: {  	_ =	shalt  }
0x86: {  	_ =	shalt  }
0x87: {  	_ =	shalt  }
.Lfunc_end0:
.L_simem_size_0:
called_computation_lowered:
.L_overlay_start_0:
0x88: {  	s2 =	sld [smem:$0x3FD9]  }
0x89: {  	s3 =	sld [smem:$0x3FFE];
	_ =	sdelay $0x1  }
0x8a: {  	s1 =	srdreg.scid  }
0x8b: {  	s0 =	sand.u32 $0x1, s1  }
0x8c: {  	s17 =	sshll.u32 s0, $0xA;
	s2 =	sadd.s32 s3, s2  }
0x8d: {  	s2 =	sadd.s32 s2, s17  }
0x8e: {  	[smem:$0x3FC3] =	sst s2  }
0x8f: {  	_ = 	snop  }
0x90: {  	s2 =	sld [smem:$0x3FC9];
	(tm) =	ssettm $0x1  }
0x91: {  	s18 =	sld [smem:$0x3FFB];
	_ =	sdelay $0x3  }
0x92: {  	_ =	strace s18  }
0x93: {  	s3 =	sld [smem:$0x3FFC];
	_ =	sdelay $0x3  }
0x94: {  	_ =	strace s3  }
0x95: {  	s3 =	sld [smem:$0x3FFD];
	_ =	sdelay $0x3  }
0x96: {  	_ =	strace s3  }
0x97: {  	_ =	strace $0x8FFFFFFF  }
0x98: {  	s19 =	sld [smem:$0x3FDB];
	_ =	sdelay $0x1  }
0x99: {  	s4 =	simm.s32 $_scs_section_size  }
0x9a: {  	s5 =	simm.s32 $_size__tile_overlayer_lowered;
	s6 =	simm.s32 $_tile_overlayer_lowered  }
0x9b: {  	s22 =	simm.s32 $0x1BFF;
	s21 =	sshll.u32 s6, $0x1;
	s3 =	sadd.s32 s4, s19  }
0x9c: {  	s7 =	simm.s32 $0x0;
	s20 =	sshll.u32 s5, $0x1;
	s5 =	sadd.s32 s21, s3  }
0x9d: {  	[timem:s7], [sflag:s22] =	dma.local [hbm:s5], s20  }
0x9e: {  	_ =	swait.ge [sflag:s22], s20  }
0x9f: {  	s4 =	ssub.s32 $0x0, s20;
	[sflag:s22] =	ssyncset.done $0x0  }
0xa0: {  	[sflag:s22] =	ssyncadd.s32 s4;
	_ =	sdelay $0x1  }
0xa1: {  	s23 =	simm.s32 $0x1B8B  }
0xa2: {  	_ =	swait.ge [sflag:s23], $0x1  }
0xa3: {  	[sflag:s23] =	ssyncset.done $0x0  }
0xa4: {  	s25 =	simm.s32 $0x1B8E;
	s24 =	sld [smem:$0x3FFE];
	[sflag:s23] =	ssyncadd.s32 $0xFFFFFFFF  }
0xa5: {  	s26 =	simm.s32 $execute0_lowered;
	[smem:$0x3FD2] =	sst s25  }
0xa6: {  	s5 =	sshll.u32 s26, $0x1;
	_ =	strace $0x80000046;
	[dreg:$0x1] =	wrdreg $0xFFFFFFFF  }
0xa7: {  	s28 =	simm.s32 $_size_execute0_lowered;
	s3 =	sadd.s32 s3, s5;
	[dreg:$0x0] =	wrdreg $0x0  }
0xa8: {  	s5 =	sshll.u32 s28, $0x1;
	[dreg:$0x2] =	wrdreg s3  }
0xa9: {  	[dreg:$0x3] =	wrdreg s5  }
0xaa: {  	[dreg:$0x4] =	wrdreg $0xC0  }
0xab: {  	_ =	task [dreg:s7], $0x5FFFF  }
0xac: {  	[dreg:$0x1] =	wrdreg $0xFFFFFFFF  }
0xad: {  	[dreg:$0x0] =	wrdreg $0x60  }
0xae: {  	[dreg:$0x2] =	wrdreg s2  }
0xaf: {  	[dreg:$0x3] =	wrdreg s24  }
0xb0: {  	[dreg:$0x4] =	wrdreg $0x9  }
0xb1: {  	_ =	task.clear_ibuf [dreg:s7], $0x5FFFF;
	_ =	strace $0x90000046  }
0xb2: {  	s29 =	simm.s32 $0x9;
	_ =	strace $0x80000048  }
0xb3: {  	_ =	swait.ge [sflag:s29], $0x1  }
0xb4: {  	[sflag:s29] =	ssyncadd.s32 $0xFFFFFFFF  }
0xb5: {  	_ =	strace $0x90000048  }
0xb6: {  	_ =	sfence  }
0xb7: {  	s30 =	sld [smem:$0x0];
	_ =	sdelay $0x2  }
0xb8: {  	s31 =	sshll.u32 s1, $0xD;
	s1 =	sshrl.u32 s1, $0x2  }
0xb9: {  	s3 =	sand.u32 $0x4000, s31;
	s1 =	sadd.s32 s1, s30  }
0xba: {  	s0 =	sor.u32 s3, s0;
	s1 =	sshll.u32 s1, $0x11  }
0xbb: {  	s0 =	sor.u32 s1, s0  }
0xbc: {  	s0 =	sadd.s32 $0x8F2B, s0  }
0xbd: {  	[sflag:s0] =	ssyncadd.remote.s32 $0x1  }
0xbe: {  	_ =	sfence.sel $0xFFFF  }
0xbf: {  	[dreg:$0x0] =	wrdreg $0xFFFFFFFF;
	(pc) =	sbr.abs _section_cstart, $3  }
0xc0: {  	[dreg:$0x1] =	wrdreg $0xFFFFFFFF  }
0xc1: {  	_ =	task.clear_ibuf [dreg:s7], $0x2FFFF;
	_ =	strace $0x9FFFFFFF  }
0xc2: {  	(tm) =	ssettm $0x7FFFFFFF  }
0xc3: {  	_ =	shalt  }
tec
execute0_lowered:
.L_overlay_start_1:
0x0: {  	(tag) =	ssettag $0x1  }
0x1: {  	s0 =	rddreg [dreg:$0x0]  }
0x2: {  	s1 =	rddreg [dreg:$0x1];
	s3 =	srdreg.scid;
	s2 =	simm.s32 $0x0  }
0x3: {  	s5 =	stileid.u32;
	s29 =	simm.s32 $0x880;
	s30 =	simm.s32 $0x1080  }
0x4: {  	s31 =	simm.s32 $0x1880;
	s14 =	simm.s32 $0x3080;
	s15 =	simm.s32 $0x3880  }
0x5: {  	s16 =	simm.s32 $0x4080;
	s17 =	simm.s32 $0x4880;
	s18 =	simm.s32 $0x5080  }
0x6: {  	s19 =	simm.s32 $0x5880;
	s20 =	simm.s32 $0x6080;
	s21 =	simm.s32 $0x6880  }
0x7: {  	s22 =	simm.s32 $0x7080;
	s23 =	simm.s32 $0x7880;
	s24 =	simm.s32 $0x8080  }
0x8: {  	s4 =	sand.u32 $0x1, s3;
	[smem:$0x7FF] =	sst s2;
	s25 =	sshll.u32 s5, $0x7  }
0x9: {  	s10 =	sadd.s32 $0x8000, s1;
	s3 =	sadd.s32 $0x8200, s1;
	s9 =	sadd.s32 $0x8800, s1  }
0xa: {  	s26 =	sshll.u32 s4, $0x6;
	_ =	strace $0x80000047;
	s4 =	ssub.s32 $0x2, s4  }
0xb: {  	s7 =	sor.u32 s26, s25;
	s8 =	sshrl.u32 s4, $0x1;
	s26 =	simm.s32 $0x1  }
0xc: {  	s25 =	simm.s32 $0x8880;
	s5 =	sshrl.u32 s7, $0x3;
	s6 =	sshll.u32 s7, $0x8  }
0xd: {  	s11 =	ssub.s32 s4, s8;
	s4 =	sadd.s32 $0x8300, s1;
	s12 =	sor.u32 $0x20, s7  }
0xe: {  	s7 =	sadd.s32 $0x8600, s1;
	s8 =	sadd.s32 $0x8700, s1;
	s5 =	sadd.s32 s10, s5  }
0xf: {  	s28 =	sadd.s32 s0, s6;
	s6 =	sadd.s32 $0x8500, s1;
	s13 =	sshrl.u32 s12, $0x3  }
0x10: {  	s12 =	sshll.u32 s12, $0x8;
	s11 =	smax.u32 s11, $0x1;
	[dreg:$0x3] =	wrdreg s5  }
0x11: {  	v2 =	vlaneseq.u32;
	[dreg:$0x4] =	wrdreg s28;
	s5 =	sadd.s32 $0x8400, s1;
	s13 =	sadd.s32 s10, s13  }
0x12: {  	vm0 =	vmmov $0xffff;
	v1 =	vshrl.u32 v2, $0x3;
	s10 =	sadd.s32 $0x8900, s1;
	s0 =	sadd.s32 s0, s12;
	[dreg:$0x5] =	wrdreg s13  }
0x13: {  	v0 =	vand.u32 $0x7, v2;
	v2 =	vor.u32 $0x8, v2;
	v1 =	vmul.u32 $0x8, v1;
	s12 =	simm.s32 $0x2;
	[dreg:$0x6] =	wrdreg s0;
	s13 =	simm.s32 $0x9080  }
.LBB2_1:
0x14: {  	s28 =	rddreg [dreg:$0x3]  }
0x15: {  	[tilespmem:s2], [sflag:$0x2] =	stream.linear.gather [hbm4b:s28+s2], $0x20, $0x38;
	[tilespmem:$0x10080] =	vst v63  }
0x16: {  	_ =	swait.ge [sflag:s12], $0x20  }
0x17: {  	[sflag:s12] =	ssyncset.done $0x0  }
0x18: {  	s0 =	simm.s32 $0x80;
	s1 =	rddreg [dreg:$0x4];
	[sflag:s12] =	ssyncadd.s32 $0xFFFFFFE0  }
0x19: {  	[tilespmem:s0], [sflag:$0x2] =	stream.linear.gather [hbm4b:s1+s2], $0x10000, $0x38;
	[tilespmem:$0x10080] =	vst v63  }
0x1a: {  	_ =	swait.ge [sflag:s12], $0x10000  }
0x1b: {  	[sflag:s12] =	ssyncset.done $0x0  }
0x1c: {  	[sflag:s12] =	ssyncadd.s32 $0xFFFF0000  }
0x1d: {  	v3 =	vld [tilespmem:$0x0];
	_ =	sdelay $0x4  }
0x1e: {  	v4 =	vshll.u32 v3, $0x4  }
0x1f: {  	v3 =	vand.u32 $0x7, v3;
	v4 =	vand.u32 $0xFFFFFF80, v4  }
0x20: {  	v3 =	vor.u32 v3, v4  }
0x21: {  	v4 =	vperm.xlane v3, v0;
	_ =	sdelay $0x1  }
0x22: {  	v4 =	vadd.s32 v1, v4;
	_ =	sdelay $0x4  }
0x23: {  	[hbm4b:s3+s2] =	stream.indirect_vreg.scatter [tilespmem:s0], [sflag:$0x1], $0x80, v4, vm0, $0xb8;
	[tilespmem:$0x10080] =	vst v63  }
0x24: {  	_ = 	snop  }
0x25: {  	[hbm4b:s4+s2] =	stream.indirect_vreg.scatter [tilespmem:s29], [sflag:$0x1], $0x80, v4, vm0, $0xb8;
	[tilespmem:$0x10080] =	vst v63  }
0x26: {  	_ = 	snop  }
0x27: {  	[hbm4b:s5+s2] =	stream.indirect_vreg.scatter [tilespmem:s30], [sflag:$0x1], $0x80, v4, vm0, $0xb8;
	[tilespmem:$0x10080] =	vst v63  }
0x28: {  	_ = 	snop  }
0x29: {  	[hbm4b:s6+s2] =	stream.indirect_vreg.scatter [tilespmem:s31], [sflag:$0x1], $0x80, v4, vm0, $0xb8;
	[tilespmem:$0x10080] =	vst v63  }
0x2a: {  	s1 =	simm.s32 $0x2080  }
0x2b: {  	[hbm4b:s7+s2] =	stream.indirect_vreg.scatter [tilespmem:s1], [sflag:$0x1], $0x80, v4, vm0, $0xb8;
	[tilespmem:$0x10080] =	vst v63  }
0x2c: {  	v3 =	vperm.xlane v3, v2;
	s1 =	simm.s32 $0x2880  }
0x2d: {  	[hbm4b:s8+s2] =	stream.indirect_vreg.scatter [tilespmem:s1], [sflag:$0x1], $0x80, v4, vm0, $0xb8;
	[tilespmem:$0x10080] =	vst v63  }
0x2e: {  	v3 =	vadd.s32 v1, v3  }
0x2f: {  	[hbm4b:s9+s2] =	stream.indirect_vreg.scatter [tilespmem:s14], [sflag:$0x1], $0x80, v4, vm0, $0xb8;
	[tilespmem:$0x10080] =	vst v63  }
0x30: {  	_ = 	snop  }
0x31: {  	[hbm4b:s10+s2] =	stream.indirect_vreg.scatter [tilespmem:s15], [sflag:$0x1], $0x80, v4, vm0, $0xb8;
	[tilespmem:$0x10080] =	vst v63  }
0x32: {  	_ = 	snop  }
0x33: {  	[hbm4b:s3+s2] =	stream.indirect_vreg.scatter [tilespmem:s16], [sflag:$0x1], $0x80, v3, vm0, $0xb8;
	[tilespmem:$0x10080] =	vst v63  }
0x34: {  	_ = 	snop  }
0x35: {  	[hbm4b:s4+s2] =	stream.indirect_vreg.scatter [tilespmem:s17], [sflag:$0x1], $0x80, v3, vm0, $0xb8;
	[tilespmem:$0x10080] =	vst v63  }
0x36: {  	_ = 	snop  }
0x37: {  	[hbm4b:s5+s2] =	stream.indirect_vreg.scatter [tilespmem:s18], [sflag:$0x1], $0x80, v3, vm0, $0xb8;
	[tilespmem:$0x10080] =	vst v63  }
0x38: {  	_ = 	snop  }
0x39: {  	[hbm4b:s6+s2] =	stream.indirect_vreg.scatter [tilespmem:s19], [sflag:$0x1], $0x80, v3, vm0, $0xb8;
	[tilespmem:$0x10080] =	vst v63  }
0x3a: {  	_ = 	snop  }
0x3b: {  	[hbm4b:s7+s2] =	stream.indirect_vreg.scatter [tilespmem:s20], [sflag:$0x1], $0x80, v3, vm0, $0xb8;
	[tilespmem:$0x10080] =	vst v63  }
0x3c: {  	_ = 	snop  }
0x3d: {  	[hbm4b:s8+s2] =	stream.indirect_vreg.scatter [tilespmem:s21], [sflag:$0x1], $0x80, v3, vm0, $0xb8;
	[tilespmem:$0x10080] =	vst v63  }
0x3e: {  	_ = 	snop  }
0x3f: {  	[hbm4b:s9+s2] =	stream.indirect_vreg.scatter [tilespmem:s22], [sflag:$0x1], $0x80, v3, vm0, $0xb8;
	[tilespmem:$0x10080] =	vst v63  }
0x40: {  	_ = 	snop  }
0x41: {  	[hbm4b:s10+s2] =	stream.indirect_vreg.scatter [tilespmem:s23], [sflag:$0x1], $0x80, v3, vm0, $0xb8;
	[tilespmem:$0x10080] =	vst v63  }
0x42: {  	v3 =	vld [tilespmem:$0x10];
	_ =	sdelay $0x4  }
0x43: {  	v61 =	vshll.u32 v3, $0x4  }
0x44: {  	v3 =	vand.u32 $0x7, v3;
	v4 =	vand.u32 $0xFFFFFF80, v61  }
0x45: {  	v3 =	vor.u32 v3, v4  }
0x46: {  	v4 =	vperm.xlane v3, v0;
	_ =	sdelay $0x1  }
0x47: {  	v4 =	vadd.s32 v1, v4;
	_ =	sdelay $0x4  }
0x48: {  	[hbm4b:s3+s2] =	stream.indirect_vreg.scatter [tilespmem:s24], [sflag:$0x1], $0x80, v4, vm0, $0xb8;
	[tilespmem:$0x10080] =	vst v63  }
0x49: {  	_ = 	snop  }
0x4a: {  	[hbm4b:s4+s2] =	stream.indirect_vreg.scatter [tilespmem:s25], [sflag:$0x1], $0x80, v4, vm0, $0xb8;
	[tilespmem:$0x10080] =	vst v63  }
0x4b: {  	_ = 	snop  }
0x4c: {  	[hbm4b:s5+s2] =	stream.indirect_vreg.scatter [tilespmem:s13], [sflag:$0x1], $0x80, v4, vm0, $0xb8;
	[tilespmem:$0x10080] =	vst v63  }
0x4d: {  	s28 =	simm.s32 $0x9880  }
0x4e: {  	[hbm4b:s6+s2] =	stream.indirect_vreg.scatter [tilespmem:s28], [sflag:$0x1], $0x80, v4, vm0, $0xb8;
	[tilespmem:$0x10080] =	vst v63  }
0x4f: {  	s28 =	simm.s32 $0xA080  }
0x50: {  	[hbm4b:s7+s2] =	stream.indirect_vreg.scatter [tilespmem:s28], [sflag:$0x1], $0x80, v4, vm0, $0xb8;
	[tilespmem:$0x10080] =	vst v63  }
0x51: {  	v3 =	vperm.xlane v3, v2;
	s28 =	simm.s32 $0xA880  }
0x52: {  	[hbm4b:s8+s2] =	stream.indirect_vreg.scatter [tilespmem:s28], [sflag:$0x1], $0x80, v4, vm0, $0xb8;
	[tilespmem:$0x10080] =	vst v63  }
0x53: {  	v3 =	vadd.s32 v1, v3;
	s28 =	simm.s32 $0xB080  }
0x54: {  	[hbm4b:s9+s2] =	stream.indirect_vreg.scatter [tilespmem:s28], [sflag:$0x1], $0x80, v4, vm0, $0xb8;
	[tilespmem:$0x10080] =	vst v63  }
0x55: {  	s28 =	simm.s32 $0xB880  }
0x56: {  	[hbm4b:s10+s2] =	stream.indirect_vreg.scatter [tilespmem:s28], [sflag:$0x1], $0x80, v4, vm0, $0xb8;
	[tilespmem:$0x10080] =	vst v63  }
0x57: {  	s28 =	simm.s32 $0xC080  }
0x58: {  	[hbm4b:s3+s2] =	stream.indirect_vreg.scatter [tilespmem:s28], [sflag:$0x1], $0x80, v3, vm0, $0xb8;
	[tilespmem:$0x10080] =	vst v63  }
0x59: {  	s28 =	simm.s32 $0xC880  }
0x5a: {  	[hbm4b:s4+s2] =	stream.indirect_vreg.scatter [tilespmem:s28], [sflag:$0x1], $0x80, v3, vm0, $0xb8;
	[tilespmem:$0x10080] =	vst v63  }
0x5b: {  	s28 =	simm.s32 $0xD080  }
0x5c: {  	[hbm4b:s5+s2] =	stream.indirect_vreg.scatter [tilespmem:s28], [sflag:$0x1], $0x80, v3, vm0, $0xb8;
	[tilespmem:$0x10080] =	vst v63  }
0x5d: {  	s28 =	simm.s32 $0xD880  }
0x5e: {  	[hbm4b:s6+s2] =	stream.indirect_vreg.scatter [tilespmem:s28], [sflag:$0x1], $0x80, v3, vm0, $0xb8;
	[tilespmem:$0x10080] =	vst v63  }
0x5f: {  	s28 =	simm.s32 $0xE080  }
0x60: {  	[hbm4b:s7+s2] =	stream.indirect_vreg.scatter [tilespmem:s28], [sflag:$0x1], $0x80, v3, vm0, $0xb8;
	[tilespmem:$0x10080] =	vst v63  }
0x61: {  	s28 =	simm.s32 $0xE880  }
0x62: {  	[hbm4b:s8+s2] =	stream.indirect_vreg.scatter [tilespmem:s28], [sflag:$0x1], $0x80, v3, vm0, $0xb8;
	[tilespmem:$0x10080] =	vst v63  }
0x63: {  	s28 =	simm.s32 $0xF080  }
0x64: {  	[hbm4b:s9+s2] =	stream.indirect_vreg.scatter [tilespmem:s28], [sflag:$0x1], $0x80, v3, vm0, $0xb8;
	[tilespmem:$0x10080] =	vst v63  }
0x65: {  	s28 =	simm.s32 $0xF880  }
0x66: {  	[hbm4b:s10+s2] =	stream.indirect_vreg.scatter [tilespmem:s28], [sflag:$0x1], $0x80, v3, vm0, $0xb8;
	[tilespmem:$0x10080] =	vst v63  }
0x67: {  	_ =	swait.ge [sflag:s26], $0x10000  }
0x68: {  	[sflag:s26] =	ssyncset.done $0x0  }
0x69: {  	s28 =	rddreg [dreg:$0x5];
	[sflag:s26] =	ssyncadd.s32 $0xFFFF0000  }
0x6a: {  	[tilespmem:s2], [sflag:$0x2] =	stream.linear.gather [hbm4b:s28+s2], $0x20, $0x38;
	[tilespmem:$0x10080] =	vst v63  }
0x6b: {  	_ =	swait.ge [sflag:s12], $0x20  }
0x6c: {  	[sflag:s12] =	ssyncset.done $0x0  }
0x6d: {  	s28 =	rddreg [dreg:$0x6];
	[sflag:s12] =	ssyncadd.s32 $0xFFFFFFE0  }
0x6e: {  	[tilespmem:s0], [sflag:$0x2] =	stream.linear.gather [hbm4b:s28+s2], $0x10000, $0x38;
	[tilespmem:$0x10080] =	vst v63  }
0x6f: {  	_ =	swait.ge [sflag:s12], $0x10000  }
0x70: {  	[sflag:s12] =	ssyncset.done $0x0  }
0x71: {  	[sflag:s12] =	ssyncadd.s32 $0xFFFF0000  }
0x72: {  	v3 =	vld [tilespmem:$0x0];
	_ =	sdelay $0x4  }
0x73: {  	v62 =	vshll.u32 v3, $0x4  }
0x74: {  	v3 =	vand.u32 $0x7, v3;
	v4 =	vand.u32 $0xFFFFFF80, v62  }
0x75: {  	v3 =	vor.u32 v3, v4  }
0x76: {  	v4 =	vperm.xlane v3, v0;
	_ =	sdelay $0x1  }
0x77: {  	v4 =	vadd.s32 v1, v4;
	_ =	sdelay $0x4  }
0x78: {  	[hbm4b:s3+s2] =	stream.indirect_vreg.scatter [tilespmem:s0], [sflag:$0x1], $0x80, v4, vm0, $0xb8;
	[tilespmem:$0x10080] =	vst v63  }
0x79: {  	_ = 	snop  }
0x7a: {  	[hbm4b:s4+s2] =	stream.indirect_vreg.scatter [tilespmem:s29], [sflag:$0x1], $0x80, v4, vm0, $0xb8;
	[tilespmem:$0x10080] =	vst v63  }
0x7b: {  	_ = 	snop  }
0x7c: {  	[hbm4b:s5+s2] =	stream.indirect_vreg.scatter [tilespmem:s30], [sflag:$0x1], $0x80, v4, vm0, $0xb8;
	[tilespmem:$0x10080] =	vst v63  }
0x7d: {  	_ = 	snop  }
0x7e: {  	[hbm4b:s6+s2] =	stream.indirect_vreg.scatter [tilespmem:s31], [sflag:$0x1], $0x80, v4, vm0, $0xb8;
	[tilespmem:$0x10080] =	vst v63  }
0x7f: {  	s28 =	simm.s32 $0x2080  }
0x80: {  	[hbm4b:s7+s2] =	stream.indirect_vreg.scatter [tilespmem:s28], [sflag:$0x1], $0x80, v4, vm0, $0xb8;
	[tilespmem:$0x10080] =	vst v63  }
0x81: {  	v3 =	vperm.xlane v3, v2  }
0x82: {  	[hbm4b:s8+s2] =	stream.indirect_vreg.scatter [tilespmem:s1], [sflag:$0x1], $0x80, v4, vm0, $0xb8;
	[tilespmem:$0x10080] =	vst v63  }
0x83: {  	v3 =	vadd.s32 v1, v3  }
0x84: {  	[hbm4b:s9+s2] =	stream.indirect_vreg.scatter [tilespmem:s14], [sflag:$0x1], $0x80, v4, vm0, $0xb8;
	[tilespmem:$0x10080] =	vst v63  }
0x85: {  	_ = 	snop  }
0x86: {  	[hbm4b:s10+s2] =	stream.indirect_vreg.scatter [tilespmem:s15], [sflag:$0x1], $0x80, v4, vm0, $0xb8;
	[tilespmem:$0x10080] =	vst v63  }
0x87: {  	_ = 	snop  }
0x88: {  	[hbm4b:s3+s2] =	stream.indirect_vreg.scatter [tilespmem:s16], [sflag:$0x1], $0x80, v3, vm0, $0xb8;
	[tilespmem:$0x10080] =	vst v63  }
0x89: {  	_ = 	snop  }
0x8a: {  	[hbm4b:s4+s2] =	stream.indirect_vreg.scatter [tilespmem:s17], [sflag:$0x1], $0x80, v3, vm0, $0xb8;
	[tilespmem:$0x10080] =	vst v63  }
0x8b: {  	_ = 	snop  }
0x8c: {  	[hbm4b:s5+s2] =	stream.indirect_vreg.scatter [tilespmem:s18], [sflag:$0x1], $0x80, v3, vm0, $0xb8;
	[tilespmem:$0x10080] =	vst v63  }
0x8d: {  	_ = 	snop  }
0x8e: {  	[hbm4b:s6+s2] =	stream.indirect_vreg.scatter [tilespmem:s19], [sflag:$0x1], $0x80, v3, vm0, $0xb8;
	[tilespmem:$0x10080] =	vst v63  }
0x8f: {  	_ = 	snop  }
0x90: {  	[hbm4b:s7+s2] =	stream.indirect_vreg.scatter [tilespmem:s20], [sflag:$0x1], $0x80, v3, vm0, $0xb8;
	[tilespmem:$0x10080] =	vst v63  }
0x91: {  	_ = 	snop  }
0x92: {  	[hbm4b:s8+s2] =	stream.indirect_vreg.scatter [tilespmem:s21], [sflag:$0x1], $0x80, v3, vm0, $0xb8;
	[tilespmem:$0x10080] =	vst v63  }
0x93: {  	_ = 	snop  }
0x94: {  	[hbm4b:s9+s2] =	stream.indirect_vreg.scatter [tilespmem:s22], [sflag:$0x1], $0x80, v3, vm0, $0xb8;
	[tilespmem:$0x10080] =	vst v63  }
0x95: {  	_ = 	snop  }
0x96: {  	[hbm4b:s10+s2] =	stream.indirect_vreg.scatter [tilespmem:s23], [sflag:$0x1], $0x80, v3, vm0, $0xb8;
	[tilespmem:$0x10080] =	vst v63  }
0x97: {  	v3 =	vld [tilespmem:$0x10];
	_ =	sdelay $0x4  }
0x98: {  	v63 =	vshll.u32 v3, $0x4  }
0x99: {  	v3 =	vand.u32 $0x7, v3;
	v4 =	vand.u32 $0xFFFFFF80, v63  }
0x9a: {  	v3 =	vor.u32 v3, v4  }
0x9b: {  	v4 =	vperm.xlane v3, v0;
	_ =	sdelay $0x1  }
0x9c: {  	v4 =	vadd.s32 v1, v4;
	_ =	sdelay $0x4  }
0x9d: {  	[hbm4b:s3+s2] =	stream.indirect_vreg.scatter [tilespmem:s24], [sflag:$0x1], $0x80, v4, vm0, $0xb8;
	[tilespmem:$0x10080] =	vst v63  }
0x9e: {  	_ = 	snop  }
0x9f: {  	[hbm4b:s4+s2] =	stream.indirect_vreg.scatter [tilespmem:s25], [sflag:$0x1], $0x80, v4, vm0, $0xb8;
	[tilespmem:$0x10080] =	vst v63  }
0xa0: {  	_ = 	snop  }
0xa1: {  	[hbm4b:s5+s2] =	stream.indirect_vreg.scatter [tilespmem:s13], [sflag:$0x1], $0x80, v4, vm0, $0xb8;
	[tilespmem:$0x10080] =	vst v63  }
0xa2: {  	s28 =	simm.s32 $0x9880  }
0xa3: {  	[hbm4b:s6+s2] =	stream.indirect_vreg.scatter [tilespmem:s28], [sflag:$0x1], $0x80, v4, vm0, $0xb8;
	[tilespmem:$0x10080] =	vst v63  }
0xa4: {  	s1 =	simm.s32 $0xA080  }
0xa5: {  	[hbm4b:s7+s2] =	stream.indirect_vreg.scatter [tilespmem:s1], [sflag:$0x1], $0x80, v4, vm0, $0xb8;
	[tilespmem:$0x10080] =	vst v63  }
0xa6: {  	v3 =	vperm.xlane v3, v2;
	s28 =	simm.s32 $0xA880  }
0xa7: {  	[hbm4b:s8+s2] =	stream.indirect_vreg.scatter [tilespmem:s28], [sflag:$0x1], $0x80, v4, vm0, $0xb8;
	[tilespmem:$0x10080] =	vst v63  }
0xa8: {  	v3 =	vadd.s32 v1, v3;
	s1 =	simm.s32 $0xB080  }
0xa9: {  	[hbm4b:s9+s2] =	stream.indirect_vreg.scatter [tilespmem:s1], [sflag:$0x1], $0x80, v4, vm0, $0xb8;
	[tilespmem:$0x10080] =	vst v63  }
0xaa: {  	s28 =	simm.s32 $0xB880  }
0xab: {  	[hbm4b:s10+s2] =	stream.indirect_vreg.scatter [tilespmem:s28], [sflag:$0x1], $0x80, v4, vm0, $0xb8;
	[tilespmem:$0x10080] =	vst v63  }
0xac: {  	s1 =	simm.s32 $0xC080  }
0xad: {  	[hbm4b:s3+s2] =	stream.indirect_vreg.scatter [tilespmem:s1], [sflag:$0x1], $0x80, v3, vm0, $0xb8;
	[tilespmem:$0x10080] =	vst v63  }
0xae: {  	s28 =	simm.s32 $0xC880  }
0xaf: {  	[hbm4b:s4+s2] =	stream.indirect_vreg.scatter [tilespmem:s28], [sflag:$0x1], $0x80, v3, vm0, $0xb8;
	[tilespmem:$0x10080] =	vst v63  }
0xb0: {  	s1 =	simm.s32 $0xD080  }
0xb1: {  	[hbm4b:s5+s2] =	stream.indirect_vreg.scatter [tilespmem:s1], [sflag:$0x1], $0x80, v3, vm0, $0xb8;
	[tilespmem:$0x10080] =	vst v63  }
0xb2: {  	s28 =	simm.s32 $0xD880  }
0xb3: {  	[hbm4b:s6+s2] =	stream.indirect_vreg.scatter [tilespmem:s28], [sflag:$0x1], $0x80, v3, vm0, $0xb8;
	[tilespmem:$0x10080] =	vst v63  }
0xb4: {  	s1 =	simm.s32 $0xE080  }
0xb5: {  	[hbm4b:s7+s2] =	stream.indirect_vreg.scatter [tilespmem:s1], [sflag:$0x1], $0x80, v3, vm0, $0xb8;
	[tilespmem:$0x10080] =	vst v63  }
0xb6: {  	s28 =	simm.s32 $0xE880  }
0xb7: {  	[hbm4b:s8+s2] =	stream.indirect_vreg.scatter [tilespmem:s28], [sflag:$0x1], $0x80, v3, vm0, $0xb8;
	[tilespmem:$0x10080] =	vst v63  }
0xb8: {  	p0 =	sne.s32 s11, $0x1;
	s1 =	simm.s32 $0xF080  }
0xb9: {  	[hbm4b:s9+s2] =	stream.indirect_vreg.scatter [tilespmem:s1], [sflag:$0x1], $0x80, v3, vm0, $0xb8;
	[tilespmem:$0x10080] =	vst v63  }
.Ltmp0:
0xba: {  	s28 =	simm.s32 $0xF880;
	(pc) =	sbr.rel @p0 .LBB2_1-.Ltmp0, $4  }
0xbb: {  	[hbm4b:s10+s2] =	stream.indirect_vreg.scatter [tilespmem:s28], [sflag:$0x1], $0x80, v3, vm0, $0xb8;
	[tilespmem:$0x10080] =	vst v63  }
0xbc: {  	_ =	swait.ge [sflag:s26], $0x10000  }
0xbd: {  	[sflag:s26] =	ssyncset.done $0x0  }
0xbe: {  	s11 =	sadd.s32 $0xFFFFFFFF, s11;
	[sflag:s26] =	ssyncadd.s32 $0xFFFF0000  }
0xbf: {  	_ =	sfence.sel $0x180000  }
0xc0: {  	[bflag:$0x0] =	sbarrier.arrive $0xFFFF  }
0xc1: {  	_ =	strace $0x90000047  }
0xc2: {  	s0 =	stileid.u32;
	[bflag:$0x2] =	sbarrier.arrive $0xFFFF  }
0xc3: {  	p0 =	sne.s32 s0, $0x0;
	s0 =	rddreg [dreg:$0x2]  }
0xc4: {  	s0 =	sadd.s32 @!p0 $0x100000, s0  }
0xc5: {  	[sflag:s0] =	ssyncadd.tile.s32 @!p0 $0x1;
	_ =	shalt  }
.Lfunc_end2:
_tile_overlayer_lowered:
.L_overlay_start_2:
0xc6: {  	(tag) =	ssettag $0x2  }
0xc7: {  	s0 =	rddreg [dreg:$0x0];
	s2 =	stileid.u32  }
0xc8: {  	s1 =	rddreg [dreg:$0x1];
	p0 =	sne.s32 s2, $0x0  }
0xc9: {  	s3 =	rddreg [dreg:$0x2];
	[bflag:$0x3] =	sbarrier.arrive $0xFFFF;
	s2 =	simm.s32 @!p0 $0x1C02  }
0xca: {  	[timem:s3], [sflag:s2] =	dma.local @!p0 [hbm:s0], s1  }
0xcb: {  	s0 =	simm.s32 @!p0 $0x2  }
0xcc: {  	_ =	swait.ge @!p0 [sflag:s0], s1  }
0xcd: {  	s1 =	ssub.s32 @!p0 $0x0, s1;
	[sflag:s0] =	ssyncset.done @!p0 $0x0  }
0xce: {  	[sflag:s0] =	ssyncadd.s32 @!p0 s1  }
0xcf: {  	[bflag:$0x3] =	sbarrier.arrive $0xFFFF  }
0xd0: {  	_ =	shalt  }

// kernel: kernel.9.cloned.1.call-start
scs
__scs_entry_jumppad:
0x0: {  	(pc) =	sbr.rel $0x88, $3  }
0x1: {  	(tag) =	ssettag $0x0;
	lr =	simm.s32 $0x1  }
0x2: {  	[smem:$0x3F9C] =	sst lr;
	_ =	strace $0xD0000000  }
0x3: {  	_ = 	snop  }
0x4: {  	_ = 	snop  }
0x5: {  	_ = 	snop  }
0x6: {  	_ = 	snop  }
0x7: {  	_ = 	snop  }
__scs_overlays_trampoline_lowered:
0x8: {  	[smem:$0x3FAB] =	sst s0  }
0x9: {  	[smem:$0x3FAC] =	sst s1  }
0xa: {  	[smem:$0x3FAD] =	sst s2  }
0xb: {  	[smem:$0x3FAE] =	sst s3  }
0xc: {  	[smem:$0x3FAF] =	sst s4  }
0xd: {  	[smem:$0x3FB0] =	sst s5  }
0xe: {  	[smem:$0x3FB1] =	sst s6  }
0xf: {  	[smem:$0x3FB2] =	sst s7  }
0x10: {  	[smem:$0x3FB3] =	sst s8  }
0x11: {  	[smem:$0x3FB4] =	sst s9;
	s0 =	simm.s32 @!p0 $0x0  }
0x12: {  	s1 =	sld [smem:$0x3F9A];
	s0 =	simm.s32 @p0 $0x1  }
0x13: {  	[smem:$0x3FB5] =	sst s0;
	s0 =	simm.s32 @!p1 $0x0  }
0x14: {  	s2 =	sld [smem:$0x3F99];
	s0 =	simm.s32 @p1 $0x1  }
0x15: {  	[smem:$0x3FB6] =	sst s0;
	s0 =	simm.s32 @!p2 $0x0  }
0x16: {  	s3 =	sld [smem:$0x3FDB];
	s0 =	simm.s32 @p2 $0x1  }
0x17: {  	s4 =	simm.s32 $0x1BF5;
	[smem:$0x3FB8] =	sst s0  }
0x18: {  	s0 =	sld [smem:$0x3F9B];
	_ =	swait.ge [sflag:s4], $0x0  }
0x19: {  	s7 =	sld [smem:$0x3F9C]  }
0x1a: {  	s8 =	sadd.s32 $0xFFFFE003, lr  }
0x1b: {  	s9 =	sadd.s32 $0xFFFFFEF7, lr;
	s5 =	simm.s32 $0xFFFFFFFF;
	p2 =	slt.u32 s8, $0xFFFFF086  }
0x1c: {  	p1 =	slt.u32 s9, $0xF7A;
	s5 =	simm.s32 @!p2 $0x0  }
0x1d: {  	s5 =	simm.s32 @p1 $0x1;
	p0 =	seq.s32 s7, s2  }
0x1e: {  	s7 =	smul.u32 @!p0 $0xF7A, s2;
	p2 =	seq.s32 @!p0 s5, $0x0  }
0x1f: {  	s9 =	smul.u32 $0xF7A, s1;
	s8 =	simm.s32 @!p0 $0x1BF5;
	p2 =	por !p2, p0  }
0x20: {  	[sflag:s8] =	ssyncset.s32 @!p0 $0xFFFFF086;
	s6 =	sadd.s32 @!p0 s3, s7;
	s7 =	simm.s32 @!p0 $0x108  }
0x21: {  	s3 =	sadd.s32 s3, s9;
	s6 =	sadd.s32 @!p0 $0x88, s6;
	s7 =	simm.s32 @p2 $0x1082  }
0x22: {  	[simem:s7], [sflag:s8] =	dma.local @!p0 [hbm:s6], $0xF7A  }
0x23: {  	s9 =	sor.u32 $0xD0000000, s2;
	s6 =	simm.s32 $0x108;
	_ =	swait.ge @!p0 [sflag:s8], $0x0  }
0x24: {  	s3 =	sadd.s32 $0x88, s3;
	s6 =	simm.s32 @!p1 $0x1082;
	[sflag:s4] =	ssyncset.s32 $0xFFFFF086  }
0x25: {  	[simem:s6], [sflag:s4] =	dma.local [hbm:s3], $0xF7A  }
0x26: {  	[smem:$0x3F9C] =	sst s1;
	(tag) =	ssettag s2;
	_ =	strace s9  }
0x27: {  	s1 =	sld [smem:$0x3FAC]  }
0x28: {  	s2 =	sld [smem:$0x3FAD]  }
0x29: {  	s4 =	sld [smem:$0x3FAF]  }
0x2a: {  	p0 =	seq.s32 s5, $0x0;
	s5 =	sld [smem:$0x3FB0]  }
0x2b: {  	s6 =	sld [smem:$0x3FB1]  }
0x2c: {  	s7 =	sld [smem:$0x3FB2]  }
0x2d: {  	s3 =	simm.s32 $0x108;
	s8 =	sld [smem:$0x3FB3]  }
0x2e: {  	s3 =	simm.s32 @!p0 $0x1082;
	s9 =	sld [smem:$0x3FB4]  }
0x2f: {  	lr =	sadd.s32 s0, s3;
	s0 =	sld [smem:$0x3FAB]  }
0x30: {  	s3 =	sld [smem:$0x3FAE]  }
0x31: {  	[smem:$0x3FB7] =	sst s10  }
0x32: {  	s10 =	sld [smem:$0x3FB5];
	_ =	sdelay $0x3  }
0x33: {  	p0 =	seq.s32 s10, $0x1;
	s10 =	sld [smem:$0x3FB7];
	_ =	sdelay $0x3  }
0x34: {  	[smem:$0x3FB7] =	sst s10  }
0x35: {  	s10 =	sld [smem:$0x3FB6];
	_ =	sdelay $0x3  }
0x36: {  	p1 =	seq.s32 s10, $0x1;
	s10 =	sld [smem:$0x3FB7];
	_ =	sdelay $0x3  }
0x37: {  	[smem:$0x3FB7] =	sst s10  }
0x38: {  	s10 =	sld [smem:$0x3FB8]  }
0x39: {  	_ = 	snop;
	(pc) =	sbr.ind lr, $3  }
0x3a: {  	_ = 	snop  }
0x3b: {  	_ = 	snop  }
0x3c: {  	p2 =	seq.s32 s10, $0x1;
	s10 =	sld [smem:$0x3FB7]  }
0x3d: {  	_ =	shalt  }
0x3e: {  	_ =	shalt  }
0x3f: {  	_ =	shalt  }
0x40: {  	_ =	shalt  }
0x41: {  	_ =	shalt  }
0x42: {  	_ =	shalt  }
0x43: {  	_ =	shalt  }
0x44: {  	_ =	shalt  }
0x45: {  	_ =	shalt  }
0x46: {  	_ =	shalt  }
0x47: {  	_ =	shalt  }
0x48: {  	_ =	shalt  }
0x49: {  	_ =	shalt  }
0x4a: {  	_ =	shalt  }
0x4b: {  	_ =	shalt  }
0x4c: {  	_ =	shalt  }
0x4d: {  	_ =	shalt  }
0x4e: {  	_ =	shalt  }
0x4f: {  	_ =	shalt  }
0x50: {  	_ =	shalt  }
0x51: {  	_ =	shalt  }
0x52: {  	_ =	shalt  }
0x53: {  	_ =	shalt  }
0x54: {  	_ =	shalt  }
0x55: {  	_ =	shalt  }
0x56: {  	_ =	shalt  }
0x57: {  	_ =	shalt  }
0x58: {  	_ =	shalt  }
0x59: {  	_ =	shalt  }
0x5a: {  	_ =	shalt  }
0x5b: {  	_ =	shalt  }
0x5c: {  	_ =	shalt  }
0x5d: {  	_ =	shalt  }
0x5e: {  	_ =	shalt  }
0x5f: {  	_ =	shalt  }
0x60: {  	_ =	shalt  }
0x61: {  	_ =	shalt  }
0x62: {  	_ =	shalt  }
0x63: {  	_ =	shalt  }
0x64: {  	_ =	shalt  }
0x65: {  	_ =	shalt  }
0x66: {  	_ =	shalt  }
0x67: {  	_ =	shalt  }
0x68: {  	_ =	shalt  }
0x69: {  	_ =	shalt  }
0x6a: {  	_ =	shalt  }
0x6b: {  	_ =	shalt  }
0x6c: {  	_ =	shalt  }
0x6d: {  	_ =	shalt  }
0x6e: {  	_ =	shalt  }
0x6f: {  	_ =	shalt  }
0x70: {  	_ =	shalt  }
0x71: {  	_ =	shalt  }
0x72: {  	_ =	shalt  }
0x73: {  	_ =	shalt  }
0x74: {  	_ =	shalt  }
0x75: {  	_ =	shalt  }
0x76: {  	_ =	shalt  }
0x77: {  	_ =	shalt  }
0x78: {  	_ =	shalt  }
0x79: {  	_ =	shalt  }
0x7a: {  	_ =	shalt  }
0x7b: {  	_ =	shalt  }
0x7c: {  	_ =	shalt  }
0x7d: {  	_ =	shalt  }
0x7e: {  	_ =	shalt  }
0x7f: {  	_ =	shalt  }
0x80: {  	_ =	shalt  }
0x81: {  	_ =	shalt  }
0x82: {  	_ =	shalt  }
0x83: {  	_ =	shalt  }
0x84: {  	_ =	shalt  }
0x85: {  	_ =	shalt  }
0x86: {  	_ =	shalt  }
0x87: {  	_ =	shalt  }
.Lfunc_end0:
.L_simem_size_0:
called_computation.1_lowered:
.L_overlay_start_0:
0x88: {  	s2 =	sld [smem:$0x3FD9]  }
0x89: {  	s3 =	sld [smem:$0x3FFE];
	_ =	sdelay $0x1  }
0x8a: {  	s1 =	srdreg.scid  }
0x8b: {  	s0 =	sand.u32 $0x1, s1  }
0x8c: {  	s14 =	sshll.u32 s0, $0xA;
	s2 =	sadd.s32 s3, s2  }
0x8d: {  	s2 =	sadd.s32 s2, s14  }
0x8e: {  	[smem:$0x3FC3] =	sst s2  }
0x8f: {  	_ = 	snop  }
0x90: {  	s2 =	sld [smem:$0x3FD0];
	_ =	sdelay $0x2  }
0x91: {  	s15 =	simm.s32 $0xA;
	s4 =	simm.s32 $0x10  }
0x92: {  	[smem:s4], [sflag:s15] =	dma.local [hbm:s2], $0x1  }
0x93: {  	_ =	swait.eq [sflag:s15], $0x1  }
0x94: {  	[sflag:s15] =	ssyncset.done $0x0  }
0x95: {  	[sflag:s15] =	ssyncadd.s32 $0xFFFFFFFF  }
0x96: {  	s16 =	sld [smem:$0x10];
	(tm) =	ssettm $0x1  }
0x97: {  	s17 =	sld [smem:$0x3FFB];
	_ =	sdelay $0x3  }
0x98: {  	_ =	strace s17  }
0x99: {  	s3 =	sld [smem:$0x3FFC];
	_ =	sdelay $0x3  }
0x9a: {  	_ =	strace s3  }
0x9b: {  	s3 =	sld [smem:$0x3FFD];
	_ =	sdelay $0x3  }
0x9c: {  	_ =	strace s3  }
0x9d: {  	_ =	strace $0x8FFFFFFF  }
0x9e: {  	s18 =	sld [smem:$0x3FDB];
	_ =	sdelay $0x1  }
0x9f: {  	s19 =	simm.s32 $_scs_section_size  }
0xa0: {  	s5 =	simm.s32 $_size__tile_overlayer_lowered;
	s6 =	simm.s32 $_tile_overlayer_lowered  }
0xa1: {  	s22 =	simm.s32 $0x1BFF;
	s21 =	sshll.u32 s6, $0x1;
	s3 =	sadd.s32 s19, s18  }
0xa2: {  	s7 =	simm.s32 $0x0;
	s20 =	sshll.u32 s5, $0x1;
	s5 =	sadd.s32 s21, s3  }
0xa3: {  	[timem:s7], [sflag:s22] =	dma.local [hbm:s5], s20  }
0xa4: {  	_ =	swait.ge [sflag:s22], s20  }
0xa5: {  	s4 =	ssub.s32 $0x0, s20;
	[sflag:s22] =	ssyncset.done $0x0  }
0xa6: {  	[sflag:s22] =	ssyncadd.s32 s4;
	_ =	sdelay $0x1  }
0xa7: {  	s23 =	simm.s32 $0x1B8B  }
0xa8: {  	_ =	swait.ge [sflag:s23], $0x1  }
0xa9: {  	[sflag:s23] =	ssyncset.done $0x0  }
0xaa: {  	s25 =	simm.s32 $0x1B8E;
	s24 =	sld [smem:$0x3FFE];
	[sflag:s23] =	ssyncadd.s32 $0xFFFFFFFF  }
0xab: {  	s26 =	simm.s32 $execute0_lowered;
	[smem:$0x3FD2] =	sst s25  }
0xac: {  	s5 =	sshll.u32 s26, $0x1;
	_ =	strace $0x80000049;
	[dreg:$0x1] =	wrdreg $0xFFFFFFFF  }
0xad: {  	s28 =	simm.s32 $_size_execute0_lowered;
	s3 =	sadd.s32 s3, s5;
	[dreg:$0x0] =	wrdreg $0x0  }
0xae: {  	s5 =	sshll.u32 s28, $0x1;
	[dreg:$0x2] =	wrdreg s3  }
0xaf: {  	[dreg:$0x3] =	wrdreg s5  }
0xb0: {  	[dreg:$0x4] =	wrdreg $0xC0  }
0xb1: {  	_ =	task [dreg:s7], $0x5FFFF  }
0xb2: {  	[dreg:$0x1] =	wrdreg $0xFFFFFFFF  }
0xb3: {  	[dreg:$0x0] =	wrdreg $0x60  }
0xb4: {  	[dreg:$0x2] =	wrdreg s24  }
0xb5: {  	[dreg:$0x3] =	wrdreg s16  }
0xb6: {  	[dreg:$0x4] =	wrdreg $0x9  }
0xb7: {  	_ =	task.clear_ibuf [dreg:s7], $0x5FFFF;
	_ =	strace $0x90000049  }
0xb8: {  	s29 =	simm.s32 $0x9;
	_ =	strace $0x8000004B  }
0xb9: {  	_ =	swait.ge [sflag:s29], $0x1  }
0xba: {  	[sflag:s29] =	ssyncadd.s32 $0xFFFFFFFF  }
0xbb: {  	_ =	strace $0x9000004B  }
0xbc: {  	_ =	sfence  }
0xbd: {  	s30 =	sld [smem:$0x0];
	_ =	sdelay $0x2  }
0xbe: {  	s31 =	sshll.u32 s1, $0xD;
	s1 =	sshrl.u32 s1, $0x2  }
0xbf: {  	s3 =	sand.u32 $0x4000, s31;
	s1 =	sadd.s32 s1, s30  }
0xc0: {  	s0 =	sor.u32 s3, s0;
	s1 =	sshll.u32 s1, $0x11  }
0xc1: {  	s0 =	sor.u32 s1, s0  }
0xc2: {  	s0 =	sadd.s32 $0x8F2B, s0  }
0xc3: {  	[sflag:s0] =	ssyncadd.remote.s32 $0x1  }
0xc4: {  	_ =	sfence.sel $0xFFFF  }
0xc5: {  	[dreg:$0x0] =	wrdreg $0xFFFFFFFF;
	(pc) =	sbr.abs _section_cstart, $3  }
0xc6: {  	[dreg:$0x1] =	wrdreg $0xFFFFFFFF  }
0xc7: {  	_ =	task.clear_ibuf [dreg:s7], $0x2FFFF;
	_ =	strace $0x9FFFFFFF  }
0xc8: {  	(tm) =	ssettm $0x7FFFFFFF  }
0xc9: {  	_ =	shalt  }
tec
execute0_lowered:
.L_overlay_start_1:
0x0: {  	(tag) =	ssettag $0x1  }
0x1: {  	s0 =	rddreg [dreg:$0x0]  }
0x2: {  	s1 =	rddreg [dreg:$0x1]  }
0x3: {  	s2 =	simm.s32 $0x0;
	s3 =	srdreg.scid;
	s5 =	stileid.u32  }
0x4: {  	s29 =	simm.s32 $0x880;
	s30 =	simm.s32 $0x1080;
	s31 =	simm.s32 $0x1880  }
0x5: {  	s15 =	simm.s32 $0x3880;
	s16 =	simm.s32 $0x4080;
	s17 =	simm.s32 $0x4880  }
0x6: {  	s18 =	simm.s32 $0x5080;
	s19 =	simm.s32 $0x5880;
	s20 =	simm.s32 $0x6080  }
0x7: {  	s21 =	simm.s32 $0x6880;
	s22 =	simm.s32 $0x7080;
	s23 =	simm.s32 $0x7880  }
0x8: {  	[smem:$0x7FF] =	sst s2;
	s3 =	sand.u32 $0x1, s3;
	s5 =	sshll.u32 s5, $0x7  }
0x9: {  	s10 =	sadd.s32 $0x8000, s0;
	s8 =	sadd.s32 $0x168900, s0;
	_ =	strace $0x8000004A  }
0xa: {  	s4 =	ssub.s32 $0x2, s3;
	s6 =	sshll.u32 s3, $0x6;
	s3 =	sadd.s32 $0x168400, s0  }
0xb: {  	s7 =	sshrl.u32 s4, $0x1;
	s9 =	sor.u32 s6, s5;
	s5 =	sadd.s32 $0x168600, s0  }
0xc: {  	s6 =	sadd.s32 $0x168700, s0;
	s11 =	ssub.s32 s4, s7;
	s24 =	sshrl.u32 s9, $0x3  }
0xd: {  	s4 =	sadd.s32 $0x168500, s0;
	s7 =	sadd.s32 $0x168800, s0;
	s12 =	sshll.u32 s9, $0x8  }
0xe: {  	s13 =	sor.u32 $0x20, s9;
	s9 =	sadd.s32 $0x168A00, s0;
	s25 =	sadd.s32 s10, s24  }
0xf: {  	s12 =	sadd.s32 s1, s12;
	s14 =	sshrl.u32 s13, $0x3;
	s13 =	sshll.u32 s13, $0x8  }
0x10: {  	s11 =	smax.u32 s11, $0x1;
	s24 =	simm.s32 $0x8080;
	[dreg:$0x3] =	wrdreg s25  }
0x11: {  	[dreg:$0x4] =	wrdreg s12;
	s26 =	sadd.s32 s10, s14;
	s10 =	sadd.s32 $0x168B00, s0  }
0x12: {  	v2 =	vlaneseq.u32;
	s28 =	sadd.s32 s1, s13;
	s12 =	simm.s32 $0x2;
	s0 =	simm.s32 $0x80  }
0x13: {  	vm0 =	vmmov $0xffff;
	v1 =	vshrl.u32 v2, $0x3;
	s14 =	simm.s32 $0x3080;
	s25 =	simm.s32 $0x8880;
	[dreg:$0x5] =	wrdreg s26  }
0x14: {  	v0 =	vand.u32 $0x7, v2;
	v2 =	vor.u32 $0x8, v2;
	v1 =	vmul.u32 $0x8, v1;
	s13 =	simm.s32 $0x9080;
	[dreg:$0x6] =	wrdreg s28;
	s26 =	simm.s32 $0x1  }
.LBB2_1:
0x15: {  	s28 =	rddreg [dreg:$0x3]  }
0x16: {  	[tilespmem:s2], [sflag:$0x2] =	stream.linear.gather [hbm4b:s28+s2], $0x20, $0x38;
	[tilespmem:$0x10080] =	vst v63  }
0x17: {  	_ =	swait.ge [sflag:s12], $0x20  }
0x18: {  	[sflag:s12] =	ssyncset.done $0x0  }
0x19: {  	[sflag:s12] =	ssyncadd.s32 $0xFFFFFFE0  }
0x1a: {  	v3 =	vld [tilespmem:$0x0];
	_ =	sdelay $0x4  }
0x1b: {  	v4 =	vshll.u32 v3, $0x4  }
0x1c: {  	v3 =	vand.u32 $0x7, v3;
	v4 =	vand.u32 $0xFFFFFF80, v4  }
0x1d: {  	v3 =	vor.u32 v3, v4  }
0x1e: {  	v4 =	vperm.xlane v3, v0;
	_ =	sdelay $0x1  }
0x1f: {  	v4 =	vadd.s32 v1, v4;
	_ =	sdelay $0x4  }
0x20: {  	[tilespmem:s0], [sflag:$0x1] =	stream.indirect_vreg.gather [hbm4b:s3+s2], $0x80, v4, vm0, $0xb8;
	[tilespmem:$0x10080] =	vst v63  }
0x21: {  	_ = 	snop  }
0x22: {  	[tilespmem:s29], [sflag:$0x1] =	stream.indirect_vreg.gather [hbm4b:s4+s2], $0x80, v4, vm0, $0xb8;
	[tilespmem:$0x10080] =	vst v63  }
0x23: {  	_ = 	snop  }
0x24: {  	[tilespmem:s30], [sflag:$0x1] =	stream.indirect_vreg.gather [hbm4b:s5+s2], $0x80, v4, vm0, $0xb8;
	[tilespmem:$0x10080] =	vst v63  }
0x25: {  	_ = 	snop  }
0x26: {  	[tilespmem:s31], [sflag:$0x1] =	stream.indirect_vreg.gather [hbm4b:s6+s2], $0x80, v4, vm0, $0xb8;
	[tilespmem:$0x10080] =	vst v63  }
0x27: {  	s1 =	simm.s32 $0x2080  }
0x28: {  	[tilespmem:s1], [sflag:$0x1] =	stream.indirect_vreg.gather [hbm4b:s7+s2], $0x80, v4, vm0, $0xb8;
	[tilespmem:$0x10080] =	vst v63  }
0x29: {  	v3 =	vperm.xlane v3, v2;
	s1 =	simm.s32 $0x2880  }
0x2a: {  	[tilespmem:s1], [sflag:$0x1] =	stream.indirect_vreg.gather [hbm4b:s8+s2], $0x80, v4, vm0, $0xb8;
	[tilespmem:$0x10080] =	vst v63  }
0x2b: {  	v3 =	vadd.s32 v1, v3  }
0x2c: {  	[tilespmem:s14], [sflag:$0x1] =	stream.indirect_vreg.gather [hbm4b:s9+s2], $0x80, v4, vm0, $0xb8;
	[tilespmem:$0x10080] =	vst v63  }
0x2d: {  	_ = 	snop  }
0x2e: {  	[tilespmem:s15], [sflag:$0x1] =	stream.indirect_vreg.gather [hbm4b:s10+s2], $0x80, v4, vm0, $0xb8;
	[tilespmem:$0x10080] =	vst v63  }
0x2f: {  	_ = 	snop  }
0x30: {  	[tilespmem:s16], [sflag:$0x1] =	stream.indirect_vreg.gather [hbm4b:s3+s2], $0x80, v3, vm0, $0xb8;
	[tilespmem:$0x10080] =	vst v63  }
0x31: {  	_ = 	snop  }
0x32: {  	[tilespmem:s17], [sflag:$0x1] =	stream.indirect_vreg.gather [hbm4b:s4+s2], $0x80, v3, vm0, $0xb8;
	[tilespmem:$0x10080] =	vst v63  }
0x33: {  	_ = 	snop  }
0x34: {  	[tilespmem:s18], [sflag:$0x1] =	stream.indirect_vreg.gather [hbm4b:s5+s2], $0x80, v3, vm0, $0xb8;
	[tilespmem:$0x10080] =	vst v63  }
0x35: {  	_ = 	snop  }
0x36: {  	[tilespmem:s19], [sflag:$0x1] =	stream.indirect_vreg.gather [hbm4b:s6+s2], $0x80, v3, vm0, $0xb8;
	[tilespmem:$0x10080] =	vst v63  }
0x37: {  	_ = 	snop  }
0x38: {  	[tilespmem:s20], [sflag:$0x1] =	stream.indirect_vreg.gather [hbm4b:s7+s2], $0x80, v3, vm0, $0xb8;
	[tilespmem:$0x10080] =	vst v63  }
0x39: {  	_ = 	snop  }
0x3a: {  	[tilespmem:s21], [sflag:$0x1] =	stream.indirect_vreg.gather [hbm4b:s8+s2], $0x80, v3, vm0, $0xb8;
	[tilespmem:$0x10080] =	vst v63  }
0x3b: {  	_ = 	snop  }
0x3c: {  	[tilespmem:s22], [sflag:$0x1] =	stream.indirect_vreg.gather [hbm4b:s9+s2], $0x80, v3, vm0, $0xb8;
	[tilespmem:$0x10080] =	vst v63  }
0x3d: {  	_ = 	snop  }
0x3e: {  	[tilespmem:s23], [sflag:$0x1] =	stream.indirect_vreg.gather [hbm4b:s10+s2], $0x80, v3, vm0, $0xb8;
	[tilespmem:$0x10080] =	vst v63  }
0x3f: {  	v3 =	vld [tilespmem:$0x10];
	_ =	sdelay $0x4  }
0x40: {  	v61 =	vshll.u32 v3, $0x4  }
0x41: {  	v3 =	vand.u32 $0x7, v3;
	v4 =	vand.u32 $0xFFFFFF80, v61  }
0x42: {  	v3 =	vor.u32 v3, v4  }
0x43: {  	v4 =	vperm.xlane v3, v0;
	_ =	sdelay $0x1  }
0x44: {  	v4 =	vadd.s32 v1, v4;
	_ =	sdelay $0x4  }
0x45: {  	[tilespmem:s24], [sflag:$0x1] =	stream.indirect_vreg.gather [hbm4b:s3+s2], $0x80, v4, vm0, $0xb8;
	[tilespmem:$0x10080] =	vst v63  }
0x46: {  	_ = 	snop  }
0x47: {  	[tilespmem:s25], [sflag:$0x1] =	stream.indirect_vreg.gather [hbm4b:s4+s2], $0x80, v4, vm0, $0xb8;
	[tilespmem:$0x10080] =	vst v63  }
0x48: {  	_ = 	snop  }
0x49: {  	[tilespmem:s13], [sflag:$0x1] =	stream.indirect_vreg.gather [hbm4b:s5+s2], $0x80, v4, vm0, $0xb8;
	[tilespmem:$0x10080] =	vst v63  }
0x4a: {  	s28 =	simm.s32 $0x9880  }
0x4b: {  	[tilespmem:s28], [sflag:$0x1] =	stream.indirect_vreg.gather [hbm4b:s6+s2], $0x80, v4, vm0, $0xb8;
	[tilespmem:$0x10080] =	vst v63  }
0x4c: {  	s28 =	simm.s32 $0xA080  }
0x4d: {  	[tilespmem:s28], [sflag:$0x1] =	stream.indirect_vreg.gather [hbm4b:s7+s2], $0x80, v4, vm0, $0xb8;
	[tilespmem:$0x10080] =	vst v63  }
0x4e: {  	v3 =	vperm.xlane v3, v2;
	s28 =	simm.s32 $0xA880  }
0x4f: {  	[tilespmem:s28], [sflag:$0x1] =	stream.indirect_vreg.gather [hbm4b:s8+s2], $0x80, v4, vm0, $0xb8;
	[tilespmem:$0x10080] =	vst v63  }
0x50: {  	v3 =	vadd.s32 v1, v3;
	s28 =	simm.s32 $0xB080  }
0x51: {  	[tilespmem:s28], [sflag:$0x1] =	stream.indirect_vreg.gather [hbm4b:s9+s2], $0x80, v4, vm0, $0xb8;
	[tilespmem:$0x10080] =	vst v63  }
0x52: {  	s28 =	simm.s32 $0xB880  }
0x53: {  	[tilespmem:s28], [sflag:$0x1] =	stream.indirect_vreg.gather [hbm4b:s10+s2], $0x80, v4, vm0, $0xb8;
	[tilespmem:$0x10080] =	vst v63  }
0x54: {  	s28 =	simm.s32 $0xC080  }
0x55: {  	[tilespmem:s28], [sflag:$0x1] =	stream.indirect_vreg.gather [hbm4b:s3+s2], $0x80, v3, vm0, $0xb8;
	[tilespmem:$0x10080] =	vst v63  }
0x56: {  	s28 =	simm.s32 $0xC880  }
0x57: {  	[tilespmem:s28], [sflag:$0x1] =	stream.indirect_vreg.gather [hbm4b:s4+s2], $0x80, v3, vm0, $0xb8;
	[tilespmem:$0x10080] =	vst v63  }
0x58: {  	s28 =	simm.s32 $0xD080  }
0x59: {  	[tilespmem:s28], [sflag:$0x1] =	stream.indirect_vreg.gather [hbm4b:s5+s2], $0x80, v3, vm0, $0xb8;
	[tilespmem:$0x10080] =	vst v63  }
0x5a: {  	s28 =	simm.s32 $0xD880  }
0x5b: {  	[tilespmem:s28], [sflag:$0x1] =	stream.indirect_vreg.gather [hbm4b:s6+s2], $0x80, v3, vm0, $0xb8;
	[tilespmem:$0x10080] =	vst v63  }
0x5c: {  	s28 =	simm.s32 $0xE080  }
0x5d: {  	[tilespmem:s28], [sflag:$0x1] =	stream.indirect_vreg.gather [hbm4b:s7+s2], $0x80, v3, vm0, $0xb8;
	[tilespmem:$0x10080] =	vst v63  }
0x5e: {  	s28 =	simm.s32 $0xE880  }
0x5f: {  	[tilespmem:s28], [sflag:$0x1] =	stream.indirect_vreg.gather [hbm4b:s8+s2], $0x80, v3, vm0, $0xb8;
	[tilespmem:$0x10080] =	vst v63  }
0x60: {  	s28 =	simm.s32 $0xF080  }
0x61: {  	[tilespmem:s28], [sflag:$0x1] =	stream.indirect_vreg.gather [hbm4b:s9+s2], $0x80, v3, vm0, $0xb8;
	[tilespmem:$0x10080] =	vst v63  }
0x62: {  	s28 =	simm.s32 $0xF880  }
0x63: {  	[tilespmem:s28], [sflag:$0x1] =	stream.indirect_vreg.gather [hbm4b:s10+s2], $0x80, v3, vm0, $0xb8;
	[tilespmem:$0x10080] =	vst v63  }
0x64: {  	_ =	swait.ge [sflag:s26], $0x10000  }
0x65: {  	[sflag:s26] =	ssyncset.done $0x0  }
0x66: {  	s28 =	rddreg [dreg:$0x4];
	[sflag:s26] =	ssyncadd.s32 $0xFFFF0000  }
0x67: {  	[hbm4b:s28+s2] =	stream.linear.scatter [tilespmem:s0], [sflag:$0x2], $0x10000, $0x38;
	[tilespmem:$0x10080] =	vst v63  }
0x68: {  	_ =	swait.ge [sflag:s12], $0x10000  }
0x69: {  	[sflag:s12] =	ssyncset.done $0x0  }
0x6a: {  	s28 =	rddreg [dreg:$0x5];
	[sflag:s12] =	ssyncadd.s32 $0xFFFF0000  }
0x6b: {  	[tilespmem:s2], [sflag:$0x2] =	stream.linear.gather [hbm4b:s28+s2], $0x20, $0x38;
	[tilespmem:$0x10080] =	vst v63  }
0x6c: {  	_ =	swait.ge [sflag:s12], $0x20  }
0x6d: {  	[sflag:s12] =	ssyncset.done $0x0  }
0x6e: {  	[sflag:s12] =	ssyncadd.s32 $0xFFFFFFE0  }
0x6f: {  	v3 =	vld [tilespmem:$0x0];
	_ =	sdelay $0x4  }
0x70: {  	v62 =	vshll.u32 v3, $0x4  }
0x71: {  	v3 =	vand.u32 $0x7, v3;
	v4 =	vand.u32 $0xFFFFFF80, v62  }
0x72: {  	v3 =	vor.u32 v3, v4  }
0x73: {  	v4 =	vperm.xlane v3, v0;
	_ =	sdelay $0x1  }
0x74: {  	v4 =	vadd.s32 v1, v4;
	_ =	sdelay $0x4  }
0x75: {  	[tilespmem:s0], [sflag:$0x1] =	stream.indirect_vreg.gather [hbm4b:s3+s2], $0x80, v4, vm0, $0xb8;
	[tilespmem:$0x10080] =	vst v63  }
0x76: {  	_ = 	snop  }
0x77: {  	[tilespmem:s29], [sflag:$0x1] =	stream.indirect_vreg.gather [hbm4b:s4+s2], $0x80, v4, vm0, $0xb8;
	[tilespmem:$0x10080] =	vst v63  }
0x78: {  	_ = 	snop  }
0x79: {  	[tilespmem:s30], [sflag:$0x1] =	stream.indirect_vreg.gather [hbm4b:s5+s2], $0x80, v4, vm0, $0xb8;
	[tilespmem:$0x10080] =	vst v63  }
0x7a: {  	_ = 	snop  }
0x7b: {  	[tilespmem:s31], [sflag:$0x1] =	stream.indirect_vreg.gather [hbm4b:s6+s2], $0x80, v4, vm0, $0xb8;
	[tilespmem:$0x10080] =	vst v63  }
0x7c: {  	s28 =	simm.s32 $0x2080  }
0x7d: {  	[tilespmem:s28], [sflag:$0x1] =	stream.indirect_vreg.gather [hbm4b:s7+s2], $0x80, v4, vm0, $0xb8;
	[tilespmem:$0x10080] =	vst v63  }
0x7e: {  	v3 =	vperm.xlane v3, v2  }
0x7f: {  	[tilespmem:s1], [sflag:$0x1] =	stream.indirect_vreg.gather [hbm4b:s8+s2], $0x80, v4, vm0, $0xb8;
	[tilespmem:$0x10080] =	vst v63  }
0x80: {  	v3 =	vadd.s32 v1, v3  }
0x81: {  	[tilespmem:s14], [sflag:$0x1] =	stream.indirect_vreg.gather [hbm4b:s9+s2], $0x80, v4, vm0, $0xb8;
	[tilespmem:$0x10080] =	vst v63  }
0x82: {  	_ = 	snop  }
0x83: {  	[tilespmem:s15], [sflag:$0x1] =	stream.indirect_vreg.gather [hbm4b:s10+s2], $0x80, v4, vm0, $0xb8;
	[tilespmem:$0x10080] =	vst v63  }
0x84: {  	_ = 	snop  }
0x85: {  	[tilespmem:s16], [sflag:$0x1] =	stream.indirect_vreg.gather [hbm4b:s3+s2], $0x80, v3, vm0, $0xb8;
	[tilespmem:$0x10080] =	vst v63  }
0x86: {  	_ = 	snop  }
0x87: {  	[tilespmem:s17], [sflag:$0x1] =	stream.indirect_vreg.gather [hbm4b:s4+s2], $0x80, v3, vm0, $0xb8;
	[tilespmem:$0x10080] =	vst v63  }
0x88: {  	_ = 	snop  }
0x89: {  	[tilespmem:s18], [sflag:$0x1] =	stream.indirect_vreg.gather [hbm4b:s5+s2], $0x80, v3, vm0, $0xb8;
	[tilespmem:$0x10080] =	vst v63  }
0x8a: {  	_ = 	snop  }
0x8b: {  	[tilespmem:s19], [sflag:$0x1] =	stream.indirect_vreg.gather [hbm4b:s6+s2], $0x80, v3, vm0, $0xb8;
	[tilespmem:$0x10080] =	vst v63  }
0x8c: {  	_ = 	snop  }
0x8d: {  	[tilespmem:s20], [sflag:$0x1] =	stream.indirect_vreg.gather [hbm4b:s7+s2], $0x80, v3, vm0, $0xb8;
	[tilespmem:$0x10080] =	vst v63  }
0x8e: {  	_ = 	snop  }
0x8f: {  	[tilespmem:s21], [sflag:$0x1] =	stream.indirect_vreg.gather [hbm4b:s8+s2], $0x80, v3, vm0, $0xb8;
	[tilespmem:$0x10080] =	vst v63  }
0x90: {  	_ = 	snop  }
0x91: {  	[tilespmem:s22], [sflag:$0x1] =	stream.indirect_vreg.gather [hbm4b:s9+s2], $0x80, v3, vm0, $0xb8;
	[tilespmem:$0x10080] =	vst v63  }
0x92: {  	_ = 	snop  }
0x93: {  	[tilespmem:s23], [sflag:$0x1] =	stream.indirect_vreg.gather [hbm4b:s10+s2], $0x80, v3, vm0, $0xb8;
	[tilespmem:$0x10080] =	vst v63  }
0x94: {  	v3 =	vld [tilespmem:$0x10];
	_ =	sdelay $0x4  }
0x95: {  	v63 =	vshll.u32 v3, $0x4  }
0x96: {  	v3 =	vand.u32 $0x7, v3;
	v4 =	vand.u32 $0xFFFFFF80, v63  }
0x97: {  	v3 =	vor.u32 v3, v4  }
0x98: {  	v4 =	vperm.xlane v3, v0;
	_ =	sdelay $0x1  }
0x99: {  	v4 =	vadd.s32 v1, v4;
	_ =	sdelay $0x4  }
0x9a: {  	[tilespmem:s24], [sflag:$0x1] =	stream.indirect_vreg.gather [hbm4b:s3+s2], $0x80, v4, vm0, $0xb8;
	[tilespmem:$0x10080] =	vst v63  }
0x9b: {  	_ = 	snop  }
0x9c: {  	[tilespmem:s25], [sflag:$0x1] =	stream.indirect_vreg.gather [hbm4b:s4+s2], $0x80, v4, vm0, $0xb8;
	[tilespmem:$0x10080] =	vst v63  }
0x9d: {  	_ = 	snop  }
0x9e: {  	[tilespmem:s13], [sflag:$0x1] =	stream.indirect_vreg.gather [hbm4b:s5+s2], $0x80, v4, vm0, $0xb8;
	[tilespmem:$0x10080] =	vst v63  }
0x9f: {  	s28 =	simm.s32 $0x9880  }
0xa0: {  	[tilespmem:s28], [sflag:$0x1] =	stream.indirect_vreg.gather [hbm4b:s6+s2], $0x80, v4, vm0, $0xb8;
	[tilespmem:$0x10080] =	vst v63  }
0xa1: {  	s28 =	simm.s32 $0xA080  }
0xa2: {  	[tilespmem:s28], [sflag:$0x1] =	stream.indirect_vreg.gather [hbm4b:s7+s2], $0x80, v4, vm0, $0xb8;
	[tilespmem:$0x10080] =	vst v63  }
0xa3: {  	v3 =	vperm.xlane v3, v2;
	s28 =	simm.s32 $0xA880  }
0xa4: {  	[tilespmem:s28], [sflag:$0x1] =	stream.indirect_vreg.gather [hbm4b:s8+s2], $0x80, v4, vm0, $0xb8;
	[tilespmem:$0x10080] =	vst v63  }
0xa5: {  	v3 =	vadd.s32 v1, v3;
	s28 =	simm.s32 $0xB080  }
0xa6: {  	[tilespmem:s28], [sflag:$0x1] =	stream.indirect_vreg.gather [hbm4b:s9+s2], $0x80, v4, vm0, $0xb8;
	[tilespmem:$0x10080] =	vst v63  }
0xa7: {  	s28 =	simm.s32 $0xB880  }
0xa8: {  	[tilespmem:s28], [sflag:$0x1] =	stream.indirect_vreg.gather [hbm4b:s10+s2], $0x80, v4, vm0, $0xb8;
	[tilespmem:$0x10080] =	vst v63  }
0xa9: {  	s28 =	simm.s32 $0xC080  }
0xaa: {  	[tilespmem:s28], [sflag:$0x1] =	stream.indirect_vreg.gather [hbm4b:s3+s2], $0x80, v3, vm0, $0xb8;
	[tilespmem:$0x10080] =	vst v63  }
0xab: {  	s28 =	simm.s32 $0xC880  }
0xac: {  	[tilespmem:s28], [sflag:$0x1] =	stream.indirect_vreg.gather [hbm4b:s4+s2], $0x80, v3, vm0, $0xb8;
	[tilespmem:$0x10080] =	vst v63  }
0xad: {  	s28 =	simm.s32 $0xD080  }
0xae: {  	[tilespmem:s28], [sflag:$0x1] =	stream.indirect_vreg.gather [hbm4b:s5+s2], $0x80, v3, vm0, $0xb8;
	[tilespmem:$0x10080] =	vst v63  }
0xaf: {  	s28 =	simm.s32 $0xD880  }
0xb0: {  	[tilespmem:s28], [sflag:$0x1] =	stream.indirect_vreg.gather [hbm4b:s6+s2], $0x80, v3, vm0, $0xb8;
	[tilespmem:$0x10080] =	vst v63  }
0xb1: {  	s28 =	simm.s32 $0xE080  }
0xb2: {  	[tilespmem:s28], [sflag:$0x1] =	stream.indirect_vreg.gather [hbm4b:s7+s2], $0x80, v3, vm0, $0xb8;
	[tilespmem:$0x10080] =	vst v63  }
0xb3: {  	s28 =	simm.s32 $0xE880  }
0xb4: {  	[tilespmem:s28], [sflag:$0x1] =	stream.indirect_vreg.gather [hbm4b:s8+s2], $0x80, v3, vm0, $0xb8;
	[tilespmem:$0x10080] =	vst v63  }
0xb5: {  	s28 =	simm.s32 $0xF080  }
0xb6: {  	[tilespmem:s28], [sflag:$0x1] =	stream.indirect_vreg.gather [hbm4b:s9+s2], $0x80, v3, vm0, $0xb8;
	[tilespmem:$0x10080] =	vst v63  }
0xb7: {  	s28 =	simm.s32 $0xF880  }
0xb8: {  	[tilespmem:s28], [sflag:$0x1] =	stream.indirect_vreg.gather [hbm4b:s10+s2], $0x80, v3, vm0, $0xb8;
	[tilespmem:$0x10080] =	vst v63  }
0xb9: {  	_ =	swait.ge [sflag:s26], $0x10000  }
0xba: {  	p0 =	sne.s32 s11, $0x1;
	[sflag:s26] =	ssyncset.done $0x0  }
.Ltmp0:
0xbb: {  	s1 =	rddreg [dreg:$0x6];
	[sflag:s26] =	ssyncadd.s32 $0xFFFF0000;
	(pc) =	sbr.rel @p0 .LBB2_1-.Ltmp0, $4  }
0xbc: {  	[hbm4b:s1+s2] =	stream.linear.scatter [tilespmem:s0], [sflag:$0x2], $0x10000, $0x38;
	[tilespmem:$0x10080] =	vst v63  }
0xbd: {  	_ =	swait.ge [sflag:s12], $0x10000  }
0xbe: {  	[sflag:s12] =	ssyncset.done $0x0  }
0xbf: {  	s11 =	sadd.s32 $0xFFFFFFFF, s11;
	[sflag:s12] =	ssyncadd.s32 $0xFFFF0000  }
0xc0: {  	_ =	sfence.sel $0x180000  }
0xc1: {  	[bflag:$0x0] =	sbarrier.arrive $0xFFFF  }
0xc2: {  	_ =	strace $0x9000004A  }
0xc3: {  	s0 =	stileid.u32;
	[bflag:$0x2] =	sbarrier.arrive $0xFFFF  }
0xc4: {  	p0 =	sne.s32 s0, $0x0;
	s0 =	rddreg [dreg:$0x2]  }
0xc5: {  	s0 =	sadd.s32 @!p0 $0x100000, s0  }
0xc6: {  	[sflag:s0] =	ssyncadd.tile.s32 @!p0 $0x1;
	_ =	shalt  }
.Lfunc_end2:
_tile_overlayer_lowered:
.L_overlay_start_2:
0xc7: {  	(tag) =	ssettag $0x2  }
0xc8: {  	s0 =	rddreg [dreg:$0x0];
	s2 =	stileid.u32  }
0xc9: {  	s1 =	rddreg [dreg:$0x1];
	p0 =	sne.s32 s2, $0x0  }
0xca: {  	s3 =	rddreg [dreg:$0x2];
	[bflag:$0x3] =	sbarrier.arrive $0xFFFF;
	s2 =	simm.s32 @!p0 $0x1C02  }
0xcb: {  	[timem:s3], [sflag:s2] =	dma.local @!p0 [hbm:s0], s1  }
0xcc: {  	s0 =	simm.s32 @!p0 $0x2  }
0xcd: {  	_ =	swait.ge @!p0 [sflag:s0], s1  }
0xce: {  	s1 =	ssub.s32 @!p0 $0x0, s1;
	[sflag:s0] =	ssyncset.done @!p0 $0x0  }
0xcf: {  	[sflag:s0] =	ssyncadd.s32 @!p0 s1  }
0xd0: {  	[bflag:$0x3] =	sbarrier.arrive $0xFFFF  }
0xd1: {  	_ =	shalt  }

</sc_bundles>
